<compile_context>
chip_gen: v7x
topology: tpu7x:2x2x1
jax: 0.10.2.dev20260603
libtpu: 0.0.44.dev20260713+nightly
codegen_flags: <defaults>
</compile_context>

<pallas_src>
import functools

import jax
import jax.numpy as jnp
from jax import lax
from jax.experimental import pallas as pl
from jax.experimental.pallas import tpu as pltpu
from jax.experimental.pallas import tpu_sc as plsc

NC = 2
NS = 16
NW = NC * NS
L = 16

CHUNK = 8192
UNROLL = 4
N_BINS = 10
HIST = N_BINS * L
HIST_PAD = 256


def _make_sc_call(n):
    fr = n // (NW * CHUNK)
    base_rem = fr * NW * CHUNK
    rem = n - base_rem
    mch = (rem // NW) // L * L
    tail2 = rem - mch * NW
    assert fr >= 2 and fr % 2 == 1 and mch > 0
    assert mch % 8 == 0 and tail2 % L == 0 and base_rem % 8 == 0

    mesh = plsc.VectorSubcoreMesh(core_axis_name="c", subcore_axis_name="s")

    @functools.partial(
        pl.kernel,
        mesh=mesh,
        compiler_params=pltpu.CompilerParams(needs_layout_passes=False),
        out_type=jax.ShapeDtypeStruct((NW * 3 * HIST_PAD,), jnp.float32),
        scratch_types=[
            pltpu.VMEM((CHUNK,), jnp.float32),
            pltpu.VMEM((CHUNK,), jnp.float32),
            pltpu.VMEM((CHUNK,), jnp.float32),
            pltpu.VMEM((CHUNK,), jnp.float32),
            pltpu.VMEM((HIST_PAD,), jnp.float32),
            pltpu.VMEM((HIST_PAD,), jnp.float32),
            pltpu.VMEM((HIST_PAD,), jnp.float32),
            pltpu.SemaphoreType.DMA,
            pltpu.SemaphoreType.DMA,
            pltpu.SemaphoreType.DMA,
            pltpu.SemaphoreType.DMA,
        ],
    )
    def sc_call(conf_hbm, risk_hbm, out_hbm, cbuf0, cbuf1, rbuf0, rbuf1,
                hcnt, hconf, hrisk, csem0, csem1, rsem0, rsem1):
        wid = lax.axis_index("s") * NC + lax.axis_index("c")
        cbufs = (cbuf0, cbuf1)
        rbufs = (rbuf0, rbuf1)
        csems = (csem0, csem1)
        rsems = (rsem0, rsem1)

        zero = jnp.zeros((L,), jnp.float32)
        for i in range(HIST_PAD // L):
            hcnt[pl.ds(i * L, L)] = zero
            hconf[pl.ds(i * L, L)] = zero
            hrisk[pl.ds(i * L, L)] = zero

        lane = lax.iota(jnp.int32, L)
        ones = jnp.ones((L,), jnp.float32)
        kvec = jnp.full((L,), 10.0 - 2.0 ** -20, jnp.float32)
        four = jnp.full((L,), 4, jnp.int32)
        oneu = jnp.ones((L,), jnp.uint32)
        ubound = jnp.full((L,), 0x411FFFFF, jnp.uint32)

        def scatter_one(cc, rr):
            t = cc * kvec
            bi = t.astype(jnp.int32)
            sh = lax.shift_left(bi, four)
            tb = lax.bitcast_convert_type(t, jnp.uint32)
            valid = (tb - oneu) < ubound
            idx = sh | lane
            plsc.addupdate_scatter(hcnt, [idx], ones, mask=valid)
            plsc.addupdate_scatter(hconf, [idx], cc, mask=valid)
            plsc.addupdate_scatter(hrisk, [idx], rr, mask=valid)

        def run_accum(cb, rb, nvregs):
            @plsc.parallel_loop(0, nvregs, unroll=UNROLL)
            def _(i):
                scatter_one(cb[pl.ds(i * L, L)], rb[pl.ds(i * L, L)])

        def start_full(k, b):
            off = (k * NW + wid) * CHUNK
            pltpu.async_copy(conf_hbm.at[pl.ds(off, CHUNK)], cbufs[b], csems[b])
            pltpu.async_copy(risk_hbm.at[pl.ds(off, CHUNK)], rbufs[b], rsems[b])

        def wait_full(k, b):
            off = (k * NW + wid) * CHUNK
            pltpu.make_async_copy(
                conf_hbm.at[pl.ds(off, CHUNK)], cbufs[b], csems[b]).wait()
            pltpu.make_async_copy(
                risk_hbm.at[pl.ds(off, CHUNK)], rbufs[b], rsems[b]).wait()

        start_full(0, 0)
        start_full(1, 1)

        def outer(g, _):
            k = 2 * g
            wait_full(k, 0)
            run_accum(cbuf0, rbuf0, CHUNK // L)

            @pl.when(k + 2 < fr)
            def _():
                start_full(k + 2, 0)

            wait_full(k + 1, 1)
            run_accum(cbuf1, rbuf1, CHUNK // L)

            @pl.when(k + 3 < fr)
            def _():
                start_full(k + 3, 1)

            return 0

        lax.fori_loop(0, fr // 2, outer, 0)

        moff = base_rem + wid * mch
        pltpu.async_copy(conf_hbm.at[pl.ds(moff, mch)],
                         cbuf1.at[pl.ds(0, mch)], csem1)
        pltpu.async_copy(risk_hbm.at[pl.ds(moff, mch)],
                         rbuf1.at[pl.ds(0, mch)], rsem1)
        wait_full(fr - 1, 0)
        run_accum(cbuf0, rbuf0, CHUNK // L)
        pltpu.make_async_copy(conf_hbm.at[pl.ds(moff, mch)],
                              cbuf1.at[pl.ds(0, mch)], csem1).wait()
        pltpu.make_async_copy(risk_hbm.at[pl.ds(moff, mch)],
                              rbuf1.at[pl.ds(0, mch)], rsem1).wait()
        run_accum(cbuf1, rbuf1, mch // L)

        if tail2:
            toff = base_rem + NW * mch

            @pl.when(wid == NW - 1)
            def _():
                pltpu.sync_copy(conf_hbm.at[pl.ds(toff, tail2)],
                                cbuf0.at[pl.ds(0, tail2)])
                pltpu.sync_copy(risk_hbm.at[pl.ds(toff, tail2)],
                                rbuf0.at[pl.ds(0, tail2)])
                run_accum(cbuf0, rbuf0, tail2 // L)

        base = wid * (3 * HIST_PAD)
        pltpu.sync_copy(hcnt, out_hbm.at[pl.ds(base, HIST_PAD)])
        pltpu.sync_copy(hconf, out_hbm.at[pl.ds(base + HIST_PAD, HIST_PAD)])
        pltpu.sync_copy(hrisk, out_hbm.at[pl.ds(base + 2 * HIST_PAD, HIST_PAD)])

    return sc_call


def kernel(confidences, risk):
    n = confidences.shape[0]
    p = _make_sc_call(n)(confidences, risk)
    s = p.reshape(NW, 3, 2, 128).sum(axis=0)
    s = s.reshape(3, HIST_PAD)[:, :HIST].reshape(3, N_BINS, L).sum(axis=2)
    cnt = s[0]
    sum_conf = s[1]
    sum_risk = cnt - s[2]
    safe = jnp.maximum(cnt, 1.0)
    contrib = jnp.abs(sum_conf / safe - sum_risk / safe) * (cnt / n)
    ece = jnp.sum(jnp.where(cnt > 0.0, contrib, 0.0))
    return ece.reshape((1,))

# --- scband reference (transcript-rebuilt; emitter-appended) ---
"""Pipeline reference for scband-ece-54958401520058 (READ-ONLY COPY).

The authoritative reference and input builder live on the scoring server;
editing this copy changes nothing except your own understanding.
"""

import jax, jax.numpy as jnp
import numpy as np

N_BINS = 10
N = 2000000

def setup_inputs(seed: int = 0) -> dict:
    key = jax.random.key(seed)
    k1, k2 = jax.random.split(key)
    confidences = jax.random.uniform(k1, (N,), dtype=jnp.float32)
    risk = jax.random.uniform(k2, (N,), dtype=jnp.float32)
    return {"confidences": confidences, "risk": risk}

def reference(confidences, risk):
    bin_boundaries = jnp.linspace(0.0, 1.0, N_BINS + 1)
    bin_lowers = bin_boundaries[:-1]
    bin_uppers = bin_boundaries[1:]
    risk = 1.0 - risk
    n = confidences.shape[0]
    ece = jnp.zeros((1,), dtype=jnp.float32)
    for i in range(N_BINS):
        lo = bin_lowers[i]
        hi = bin_uppers[i]
        in_bin = (confidences > lo) & (confidences <= hi)
        mask = in_bin.astype(jnp.float32)
        cnt = mask.sum()
        prop_in_bin = cnt / n
        safe_cnt = jnp.maximum(cnt, 1.0)
        accuracy_in_bin = jnp.sum(risk * mask) / safe_cnt
        avg_confidence_in_bin = jnp.sum(confidences * mask) / safe_cnt
        contrib = jnp.abs(avg_confidence_in_bin - accuracy_in_bin) * prop_in_bin
        ece = ece + jnp.where(cnt > 0, contrib, 0.0)
    return ece

if __name__ == "__main__":
    import jax
    _d = setup_inputs()
    print(jax.jit(kernel)(*tuple(_d.values())))

</pallas_src>

<mosaic_0001>
#map = affine_map<(d0, d1) -> (0)>
module attributes {stable_mosaic.version = 14 : i64} {
  func.func @sc_call(%arg0: i32, %arg1: i32, %arg2: memref<2000000xf32, #tpu.memory_space<hbm>>, %arg3: memref<2000000xf32, #tpu.memory_space<hbm>>, %arg4: memref<24576xf32, #tpu.memory_space<hbm>>, %arg5: memref<8192xf32, #tpu.memory_space<vmem>>, %arg6: memref<8192xf32, #tpu.memory_space<vmem>>, %arg7: memref<8192xf32, #tpu.memory_space<vmem>>, %arg8: memref<8192xf32, #tpu.memory_space<vmem>>, %arg9: memref<256xf32, #tpu.memory_space<vmem>>, %arg10: memref<256xf32, #tpu.memory_space<vmem>>, %arg11: memref<256xf32, #tpu.memory_space<vmem>>, %arg12: memref<!tpu.dma_semaphore, #tpu.memory_space<semaphore_mem>>, %arg13: memref<!tpu.dma_semaphore, #tpu.memory_space<semaphore_mem>>, %arg14: memref<!tpu.dma_semaphore, #tpu.memory_space<semaphore_mem>>, %arg15: memref<!tpu.dma_semaphore, #tpu.memory_space<semaphore_mem>>) attributes {dimension_semantics = [#tpu.dimension_semantics<core_parallel>, #tpu.dimension_semantics<subcore_parallel>], iteration_bounds = array<i64: 2, 16>, scalar_prefetch = 0 : i64, scratch_operands = 11 : i64, tpu.core_type = #tpu.core_type<sc_vector_subcore>, window_params = [{transform_indices = #map}, {transform_indices = #map}, {transform_indices = #map}]} {
    %mul3A = arith.constant 2 : i32
    %mul3A_0 = arith.muli %arg1, %mul3A : i32
    %add3A = arith.addi %mul3A_0, %arg0 : i32
    %broadcast_in_dim3A = arith.constant 0.000000e+00 : f32
    %broadcast_in_dim3A_1 = vector.broadcast %broadcast_in_dim3A : f32 to vector<16xf32>
    %swap3A = arith.constant 0 : index
    %swap3A_2 = tpu.vector_load %arg9[%swap3A] {strides = array<i32>} : memref<256xf32, #tpu.memory_space<vmem>>, vector<16xf32>,
    tpu.vector_store %arg9[%swap3A], %broadcast_in_dim3A_1 {strides = array<i32>} : memref<256xf32, #tpu.memory_space<vmem>>, vector<16xf32>,
    %swap3A_3 = arith.constant 0 : index
    %swap3A_4 = tpu.vector_load %arg10[%swap3A_3] {strides = array<i32>} : memref<256xf32, #tpu.memory_space<vmem>>, vector<16xf32>,
    tpu.vector_store %arg10[%swap3A_3], %broadcast_in_dim3A_1 {strides = array<i32>} : memref<256xf32, #tpu.memory_space<vmem>>, vector<16xf32>,
    %swap3A_5 = arith.constant 0 : index
    %swap3A_6 = tpu.vector_load %arg11[%swap3A_5] {strides = array<i32>} : memref<256xf32, #tpu.memory_space<vmem>>, vector<16xf32>,
    tpu.vector_store %arg11[%swap3A_5], %broadcast_in_dim3A_1 {strides = array<i32>} : memref<256xf32, #tpu.memory_space<vmem>>, vector<16xf32>,
    %swap3A_7 = arith.constant 16 : index
    %swap3A_8 = tpu.vector_load %arg9[%swap3A_7] {strides = array<i32>} : memref<256xf32, #tpu.memory_space<vmem>>, vector<16xf32>,
    tpu.vector_store %arg9[%swap3A_7], %broadcast_in_dim3A_1 {strides = array<i32>} : memref<256xf32, #tpu.memory_space<vmem>>, vector<16xf32>,
    %swap3A_9 = arith.constant 16 : index
    %swap3A_10 = tpu.vector_load %arg10[%swap3A_9] {strides = array<i32>} : memref<256xf32, #tpu.memory_space<vmem>>, vector<16xf32>,
    tpu.vector_store %arg10[%swap3A_9], %broadcast_in_dim3A_1 {strides = array<i32>} : memref<256xf32, #tpu.memory_space<vmem>>, vector<16xf32>,
    %swap3A_11 = arith.constant 16 : index
    %swap3A_12 = tpu.vector_load %arg11[%swap3A_11] {strides = array<i32>} : memref<256xf32, #tpu.memory_space<vmem>>, vector<16xf32>,
    tpu.vector_store %arg11[%swap3A_11], %broadcast_in_dim3A_1 {strides = array<i32>} : memref<256xf32, #tpu.memory_space<vmem>>, vector<16xf32>,
    %swap3A_13 = arith.constant 32 : index
    %swap3A_14 = tpu.vector_load %arg9[%swap3A_13] {strides = array<i32>} : memref<256xf32, #tpu.memory_space<vmem>>, vector<16xf32>,
    tpu.vector_store %arg9[%swap3A_13], %broadcast_in_dim3A_1 {strides = array<i32>} : memref<256xf32, #tpu.memory_space<vmem>>, vector<16xf32>,
    %swap3A_15 = arith.constant 32 : index
    %swap3A_16 = tpu.vector_load %arg10[%swap3A_15] {strides = array<i32>} : memref<256xf32, #tpu.memory_space<vmem>>, vector<16xf32>,
    tpu.vector_store %arg10[%swap3A_15], %broadcast_in_dim3A_1 {strides = array<i32>} : memref<256xf32, #tpu.memory_space<vmem>>, vector<16xf32>,
    %swap3A_17 = arith.constant 32 : index
    %swap3A_18 = tpu.vector_load %arg11[%swap3A_17] {strides = array<i32>} : memref<256xf32, #tpu.memory_space<vmem>>, vector<16xf32>,
    tpu.vector_store %arg11[%swap3A_17], %broadcast_in_dim3A_1 {strides = array<i32>} : memref<256xf32, #tpu.memory_space<vmem>>, vector<16xf32>,
    %swap3A_19 = arith.constant 48 : index
    %swap3A_20 = tpu.vector_load %arg9[%swap3A_19] {strides = array<i32>} : memref<256xf32, #tpu.memory_space<vmem>>, vector<16xf32>,
    tpu.vector_store %arg9[%swap3A_19], %broadcast_in_dim3A_1 {strides = array<i32>} : memref<256xf32, #tpu.memory_space<vmem>>, vector<16xf32>,
    %swap3A_21 = arith.constant 48 : index
    %swap3A_22 = tpu.vector_load %arg10[%swap3A_21] {strides = array<i32>} : memref<256xf32, #tpu.memory_space<vmem>>, vector<16xf32>,
    tpu.vector_store %arg10[%swap3A_21], %broadcast_in_dim3A_1 {strides = array<i32>} : memref<256xf32, #tpu.memory_space<vmem>>, vector<16xf32>,
    %swap3A_23 = arith.constant 48 : index
    %swap3A_24 = tpu.vector_load %arg11[%swap3A_23] {strides = array<i32>} : memref<256xf32, #tpu.memory_space<vmem>>, vector<16xf32>,
    tpu.vector_store %arg11[%swap3A_23], %broadcast_in_dim3A_1 {strides = array<i32>} : memref<256xf32, #tpu.memory_space<vmem>>, vector<16xf32>,
    %swap3A_25 = arith.constant 64 : index
    %swap3A_26 = tpu.vector_load %arg9[%swap3A_25] {strides = array<i32>} : memref<256xf32, #tpu.memory_space<vmem>>, vector<16xf32>,
    tpu.vector_store %arg9[%swap3A_25], %broadcast_in_dim3A_1 {strides = array<i32>} : memref<256xf32, #tpu.memory_space<vmem>>, vector<16xf32>,
    %swap3A_27 = arith.constant 64 : index
    %swap3A_28 = tpu.vector_load %arg10[%swap3A_27] {strides = array<i32>} : memref<256xf32, #tpu.memory_space<vmem>>, vector<16xf32>,
    tpu.vector_store %arg10[%swap3A_27], %broadcast_in_dim3A_1 {strides = array<i32>} : memref<256xf32, #tpu.memory_space<vmem>>, vector<16xf32>,
    %swap3A_29 = arith.constant 64 : index
    %swap3A_30 = tpu.vector_load %arg11[%swap3A_29] {strides = array<i32>} : memref<256xf32, #tpu.memory_space<vmem>>, vector<16xf32>,
    tpu.vector_store %arg11[%swap3A_29], %broadcast_in_dim3A_1 {strides = array<i32>} : memref<256xf32, #tpu.memory_space<vmem>>, vector<16xf32>,
    %swap3A_31 = arith.constant 80 : index
    %swap3A_32 = tpu.vector_load %arg9[%swap3A_31] {strides = array<i32>} : memref<256xf32, #tpu.memory_space<vmem>>, vector<16xf32>,
    tpu.vector_store %arg9[%swap3A_31], %broadcast_in_dim3A_1 {strides = array<i32>} : memref<256xf32, #tpu.memory_space<vmem>>, vector<16xf32>,
    %swap3A_33 = arith.constant 80 : index
    %swap3A_34 = tpu.vector_load %arg10[%swap3A_33] {strides = array<i32>} : memref<256xf32, #tpu.memory_space<vmem>>, vector<16xf32>,
    tpu.vector_store %arg10[%swap3A_33], %broadcast_in_dim3A_1 {strides = array<i32>} : memref<256xf32, #tpu.memory_space<vmem>>, vector<16xf32>,
    %swap3A_35 = arith.constant 80 : index
    %swap3A_36 = tpu.vector_load %arg11[%swap3A_35] {strides = array<i32>} : memref<256xf32, #tpu.memory_space<vmem>>, vector<16xf32>,
    tpu.vector_store %arg11[%swap3A_35], %broadcast_in_dim3A_1 {strides = array<i32>} : memref<256xf32, #tpu.memory_space<vmem>>, vector<16xf32>,
    %swap3A_37 = arith.constant 96 : index
    %swap3A_38 = tpu.vector_load %arg9[%swap3A_37] {strides = array<i32>} : memref<256xf32, #tpu.memory_space<vmem>>, vector<16xf32>,
    tpu.vector_store %arg9[%swap3A_37], %broadcast_in_dim3A_1 {strides = array<i32>} : memref<256xf32, #tpu.memory_space<vmem>>, vector<16xf32>,
    %swap3A_39 = arith.constant 96 : index
    %swap3A_40 = tpu.vector_load %arg10[%swap3A_39] {strides = array<i32>} : memref<256xf32, #tpu.memory_space<vmem>>, vector<16xf32>,
    tpu.vector_store %arg10[%swap3A_39], %broadcast_in_dim3A_1 {strides = array<i32>} : memref<256xf32, #tpu.memory_space<vmem>>, vector<16xf32>,
    %swap3A_41 = arith.constant 96 : index
    %swap3A_42 = tpu.vector_load %arg11[%swap3A_41] {strides = array<i32>} : memref<256xf32, #tpu.memory_space<vmem>>, vector<16xf32>,
    tpu.vector_store %arg11[%swap3A_41], %broadcast_in_dim3A_1 {strides = array<i32>} : memref<256xf32, #tpu.memory_space<vmem>>, vector<16xf32>,
    %swap3A_43 = arith.constant 112 : index
    %swap3A_44 = tpu.vector_load %arg9[%swap3A_43] {strides = array<i32>} : memref<256xf32, #tpu.memory_space<vmem>>, vector<16xf32>,
    tpu.vector_store %arg9[%swap3A_43], %broadcast_in_dim3A_1 {strides = array<i32>} : memref<256xf32, #tpu.memory_space<vmem>>, vector<16xf32>,
    %swap3A_45 = arith.constant 112 : index
    %swap3A_46 = tpu.vector_load %arg10[%swap3A_45] {strides = array<i32>} : memref<256xf32, #tpu.memory_space<vmem>>, vector<16xf32>,
    tpu.vector_store %arg10[%swap3A_45], %broadcast_in_dim3A_1 {strides = array<i32>} : memref<256xf32, #tpu.memory_space<vmem>>, vector<16xf32>,
    %swap3A_47 = arith.constant 112 : index
    %swap3A_48 = tpu.vector_load %arg11[%swap3A_47] {strides = array<i32>} : memref<256xf32, #tpu.memory_space<vmem>>, vector<16xf32>,
    tpu.vector_store %arg11[%swap3A_47], %broadcast_in_dim3A_1 {strides = array<i32>} : memref<256xf32, #tpu.memory_space<vmem>>, vector<16xf32>,
    %swap3A_49 = arith.constant 128 : index
    %swap3A_50 = tpu.vector_load %arg9[%swap3A_49] {strides = array<i32>} : memref<256xf32, #tpu.memory_space<vmem>>, vector<16xf32>,
    tpu.vector_store %arg9[%swap3A_49], %broadcast_in_dim3A_1 {strides = array<i32>} : memref<256xf32, #tpu.memory_space<vmem>>, vector<16xf32>,
    %swap3A_51 = arith.constant 128 : index
    %swap3A_52 = tpu.vector_load %arg10[%swap3A_51] {strides = array<i32>} : memref<256xf32, #tpu.memory_space<vmem>>, vector<16xf32>,
    tpu.vector_store %arg10[%swap3A_51], %broadcast_in_dim3A_1 {strides = array<i32>} : memref<256xf32, #tpu.memory_space<vmem>>, vector<16xf32>,
    %swap3A_53 = arith.constant 128 : index
    %swap3A_54 = tpu.vector_load %arg11[%swap3A_53] {strides = array<i32>} : memref<256xf32, #tpu.memory_space<vmem>>, vector<16xf32>,
    tpu.vector_store %arg11[%swap3A_53], %broadcast_in_dim3A_1 {strides = array<i32>} : memref<256xf32, #tpu.memory_space<vmem>>, vector<16xf32>,
    %swap3A_55 = arith.constant 144 : index
    %swap3A_56 = tpu.vector_load %arg9[%swap3A_55] {strides = array<i32>} : memref<256xf32, #tpu.memory_space<vmem>>, vector<16xf32>,
    tpu.vector_store %arg9[%swap3A_55], %broadcast_in_dim3A_1 {strides = array<i32>} : memref<256xf32, #tpu.memory_space<vmem>>, vector<16xf32>,
    %swap3A_57 = arith.constant 144 : index
    %swap3A_58 = tpu.vector_load %arg10[%swap3A_57] {strides = array<i32>} : memref<256xf32, #tpu.memory_space<vmem>>, vector<16xf32>,
    tpu.vector_store %arg10[%swap3A_57], %broadcast_in_dim3A_1 {strides = array<i32>} : memref<256xf32, #tpu.memory_space<vmem>>, vector<16xf32>,
    %swap3A_59 = arith.constant 144 : index
    %swap3A_60 = tpu.vector_load %arg11[%swap3A_59] {strides = array<i32>} : memref<256xf32, #tpu.memory_space<vmem>>, vector<16xf32>,
    tpu.vector_store %arg11[%swap3A_59], %broadcast_in_dim3A_1 {strides = array<i32>} : memref<256xf32, #tpu.memory_space<vmem>>, vector<16xf32>,
    %swap3A_61 = arith.constant 160 : index
    %swap3A_62 = tpu.vector_load %arg9[%swap3A_61] {strides = array<i32>} : memref<256xf32, #tpu.memory_space<vmem>>, vector<16xf32>,
    tpu.vector_store %arg9[%swap3A_61], %broadcast_in_dim3A_1 {strides = array<i32>} : memref<256xf32, #tpu.memory_space<vmem>>, vector<16xf32>,
    %swap3A_63 = arith.constant 160 : index
    %swap3A_64 = tpu.vector_load %arg10[%swap3A_63] {strides = array<i32>} : memref<256xf32, #tpu.memory_space<vmem>>, vector<16xf32>,
    tpu.vector_store %arg10[%swap3A_63], %broadcast_in_dim3A_1 {strides = array<i32>} : memref<256xf32, #tpu.memory_space<vmem>>, vector<16xf32>,
    %swap3A_65 = arith.constant 160 : index
    %swap3A_66 = tpu.vector_load %arg11[%swap3A_65] {strides = array<i32>} : memref<256xf32, #tpu.memory_space<vmem>>, vector<16xf32>,
    tpu.vector_store %arg11[%swap3A_65], %broadcast_in_dim3A_1 {strides = array<i32>} : memref<256xf32, #tpu.memory_space<vmem>>, vector<16xf32>,
    %swap3A_67 = arith.constant 176 : index
    %swap3A_68 = tpu.vector_load %arg9[%swap3A_67] {strides = array<i32>} : memref<256xf32, #tpu.memory_space<vmem>>, vector<16xf32>,
    tpu.vector_store %arg9[%swap3A_67], %broadcast_in_dim3A_1 {strides = array<i32>} : memref<256xf32, #tpu.memory_space<vmem>>, vector<16xf32>,
    %swap3A_69 = arith.constant 176 : index
    %swap3A_70 = tpu.vector_load %arg10[%swap3A_69] {strides = array<i32>} : memref<256xf32, #tpu.memory_space<vmem>>, vector<16xf32>,
    tpu.vector_store %arg10[%swap3A_69], %broadcast_in_dim3A_1 {strides = array<i32>} : memref<256xf32, #tpu.memory_space<vmem>>, vector<16xf32>,
    %swap3A_71 = arith.constant 176 : index
    %swap3A_72 = tpu.vector_load %arg11[%swap3A_71] {strides = array<i32>} : memref<256xf32, #tpu.memory_space<vmem>>, vector<16xf32>,
    tpu.vector_store %arg11[%swap3A_71], %broadcast_in_dim3A_1 {strides = array<i32>} : memref<256xf32, #tpu.memory_space<vmem>>, vector<16xf32>,
    %swap3A_73 = arith.constant 192 : index
    %swap3A_74 = tpu.vector_load %arg9[%swap3A_73] {strides = array<i32>} : memref<256xf32, #tpu.memory_space<vmem>>, vector<16xf32>,
    tpu.vector_store %arg9[%swap3A_73], %broadcast_in_dim3A_1 {strides = array<i32>} : memref<256xf32, #tpu.memory_space<vmem>>, vector<16xf32>,
    %swap3A_75 = arith.constant 192 : index
    %swap3A_76 = tpu.vector_load %arg10[%swap3A_75] {strides = array<i32>} : memref<256xf32, #tpu.memory_space<vmem>>, vector<16xf32>,
    tpu.vector_store %arg10[%swap3A_75], %broadcast_in_dim3A_1 {strides = array<i32>} : memref<256xf32, #tpu.memory_space<vmem>>, vector<16xf32>,
    %swap3A_77 = arith.constant 192 : index
    %swap3A_78 = tpu.vector_load %arg11[%swap3A_77] {strides = array<i32>} : memref<256xf32, #tpu.memory_space<vmem>>, vector<16xf32>,
    tpu.vector_store %arg11[%swap3A_77], %broadcast_in_dim3A_1 {strides = array<i32>} : memref<256xf32, #tpu.memory_space<vmem>>, vector<16xf32>,
    %swap3A_79 = arith.constant 208 : index
    %swap3A_80 = tpu.vector_load %arg9[%swap3A_79] {strides = array<i32>} : memref<256xf32, #tpu.memory_space<vmem>>, vector<16xf32>,
    tpu.vector_store %arg9[%swap3A_79], %broadcast_in_dim3A_1 {strides = array<i32>} : memref<256xf32, #tpu.memory_space<vmem>>, vector<16xf32>,
    %swap3A_81 = arith.constant 208 : index
    %swap3A_82 = tpu.vector_load %arg10[%swap3A_81] {strides = array<i32>} : memref<256xf32, #tpu.memory_space<vmem>>, vector<16xf32>,
    tpu.vector_store %arg10[%swap3A_81], %broadcast_in_dim3A_1 {strides = array<i32>} : memref<256xf32, #tpu.memory_space<vmem>>, vector<16xf32>,
    %swap3A_83 = arith.constant 208 : index
    %swap3A_84 = tpu.vector_load %arg11[%swap3A_83] {strides = array<i32>} : memref<256xf32, #tpu.memory_space<vmem>>, vector<16xf32>,
    tpu.vector_store %arg11[%swap3A_83], %broadcast_in_dim3A_1 {strides = array<i32>} : memref<256xf32, #tpu.memory_space<vmem>>, vector<16xf32>,
    %swap3A_85 = arith.constant 224 : index
    %swap3A_86 = tpu.vector_load %arg9[%swap3A_85] {strides = array<i32>} : memref<256xf32, #tpu.memory_space<vmem>>, vector<16xf32>,
    tpu.vector_store %arg9[%swap3A_85], %broadcast_in_dim3A_1 {strides = array<i32>} : memref<256xf32, #tpu.memory_space<vmem>>, vector<16xf32>,
    %swap3A_87 = arith.constant 224 : index
    %swap3A_88 = tpu.vector_load %arg10[%swap3A_87] {strides = array<i32>} : memref<256xf32, #tpu.memory_space<vmem>>, vector<16xf32>,
    tpu.vector_store %arg10[%swap3A_87], %broadcast_in_dim3A_1 {strides = array<i32>} : memref<256xf32, #tpu.memory_space<vmem>>, vector<16xf32>,
    %swap3A_89 = arith.constant 224 : index
    %swap3A_90 = tpu.vector_load %arg11[%swap3A_89] {strides = array<i32>} : memref<256xf32, #tpu.memory_space<vmem>>, vector<16xf32>,
    tpu.vector_store %arg11[%swap3A_89], %broadcast_in_dim3A_1 {strides = array<i32>} : memref<256xf32, #tpu.memory_space<vmem>>, vector<16xf32>,
    %swap3A_91 = arith.constant 240 : index
    %swap3A_92 = tpu.vector_load %arg9[%swap3A_91] {strides = array<i32>} : memref<256xf32, #tpu.memory_space<vmem>>, vector<16xf32>,
    tpu.vector_store %arg9[%swap3A_91], %broadcast_in_dim3A_1 {strides = array<i32>} : memref<256xf32, #tpu.memory_space<vmem>>, vector<16xf32>,
    %swap3A_93 = arith.constant 240 : index
    %swap3A_94 = tpu.vector_load %arg10[%swap3A_93] {strides = array<i32>} : memref<256xf32, #tpu.memory_space<vmem>>, vector<16xf32>,
    tpu.vector_store %arg10[%swap3A_93], %broadcast_in_dim3A_1 {strides = array<i32>} : memref<256xf32, #tpu.memory_space<vmem>>, vector<16xf32>,
    %swap3A_95 = arith.constant 240 : index
    %swap3A_96 = tpu.vector_load %arg11[%swap3A_95] {strides = array<i32>} : memref<256xf32, #tpu.memory_space<vmem>>, vector<16xf32>,
    tpu.vector_store %arg11[%swap3A_95], %broadcast_in_dim3A_1 {strides = array<i32>} : memref<256xf32, #tpu.memory_space<vmem>>, vector<16xf32>,
    %iota3A = tpu.iota {dimensions = array<i32: 0>} : vector<16xi32>
    %broadcast_in_dim3A_97 = arith.constant 1.000000e+00 : f32
    %broadcast_in_dim3A_98 = vector.broadcast %broadcast_in_dim3A_97 : f32 to vector<16xf32>
    %broadcast_in_dim3A_99 = arith.constant 9.99999904 : f32
    %broadcast_in_dim3A_100 = vector.broadcast %broadcast_in_dim3A_99 : f32 to vector<16xf32>
    %broadcast_in_dim3A_101 = arith.constant 4 : i32
    %broadcast_in_dim3A_102 = vector.broadcast %broadcast_in_dim3A_101 : i32 to vector<16xi32>
    %broadcast_in_dim3A_103 = arith.constant 1 : i32
    %broadcast_in_dim3A_104 = vector.broadcast %broadcast_in_dim3A_103 : i32 to vector<16xi32>
    %broadcast_in_dim3A_105 = arith.constant 1092616191 : i32
    %broadcast_in_dim3A_106 = vector.broadcast %broadcast_in_dim3A_105 : i32 to vector<16xi32>
    %add3A_107 = arith.constant 0 : i32
    %add3A_108 = arith.addi %add3A_107, %add3A : i32
    %mul3A_109 = arith.constant 8192 : i32
    %mul3A_110 = arith.muli %add3A_108, %mul3A_109 : i32
    %dma_start3A = tpu.memref_slice %arg2[%mul3A_110] : memref<2000000xf32, #tpu.memory_space<hbm>> -> memref<8192xf32, #tpu.memory_space<hbm>>
    %dma_start3A_111 = tpu.memref_slice %arg2[%mul3A_110] : memref<2000000xf32, #tpu.memory_space<hbm>> -> memref<8192xf32, #tpu.memory_space<hbm>>
    tpu.enqueue_dma source(%dma_start3A_111 : memref<8192xf32, #tpu.memory_space<hbm>>) target(%arg5 : memref<8192xf32, #tpu.memory_space<vmem>>) target_semaphore(%arg12 : memref<!tpu.dma_semaphore, #tpu.memory_space<semaphore_mem>>)
    %dma_start3A_112 = tpu.memref_slice %arg3[%mul3A_110] : memref<2000000xf32, #tpu.memory_space<hbm>> -> memref<8192xf32, #tpu.memory_space<hbm>>
    %dma_start3A_113 = tpu.memref_slice %arg3[%mul3A_110] : memref<2000000xf32, #tpu.memory_space<hbm>> -> memref<8192xf32, #tpu.memory_space<hbm>>
    tpu.enqueue_dma source(%dma_start3A_113 : memref<8192xf32, #tpu.memory_space<hbm>>) target(%arg7 : memref<8192xf32, #tpu.memory_space<vmem>>) target_semaphore(%arg14 : memref<!tpu.dma_semaphore, #tpu.memory_space<semaphore_mem>>)
    %add3A_114 = arith.constant 32 : i32
    %add3A_115 = arith.addi %add3A_114, %add3A : i32
    %mul3A_116 = arith.constant 8192 : i32
    %mul3A_117 = arith.muli %add3A_115, %mul3A_116 : i32
    %dma_start3A_118 = tpu.memref_slice %arg2[%mul3A_117] : memref<2000000xf32, #tpu.memory_space<hbm>> -> memref<8192xf32, #tpu.memory_space<hbm>>
    %dma_start3A_119 = tpu.memref_slice %arg2[%mul3A_117] : memref<2000000xf32, #tpu.memory_space<hbm>> -> memref<8192xf32, #tpu.memory_space<hbm>>
    tpu.enqueue_dma source(%dma_start3A_119 : memref<8192xf32, #tpu.memory_space<hbm>>) target(%arg6 : memref<8192xf32, #tpu.memory_space<vmem>>) target_semaphore(%arg13 : memref<!tpu.dma_semaphore, #tpu.memory_space<semaphore_mem>>)
    %dma_start3A_120 = tpu.memref_slice %arg3[%mul3A_117] : memref<2000000xf32, #tpu.memory_space<hbm>> -> memref<8192xf32, #tpu.memory_space<hbm>>
    %dma_start3A_121 = tpu.memref_slice %arg3[%mul3A_117] : memref<2000000xf32, #tpu.memory_space<hbm>> -> memref<8192xf32, #tpu.memory_space<hbm>>
    tpu.enqueue_dma source(%dma_start3A_121 : memref<8192xf32, #tpu.memory_space<hbm>>) target(%arg8 : memref<8192xf32, #tpu.memory_space<vmem>>) target_semaphore(%arg15 : memref<!tpu.dma_semaphore, #tpu.memory_space<semaphore_mem>>)
    %scan3A = arith.constant 0 : i32
    %scan3A_122 = arith.constant 0 : i32
    %scan3A_123 = arith.constant 3 : i32
    %scan3A_124 = arith.addi %scan3A_122, %scan3A_123 : i32
    %scan3A_125 = arith.constant 1 : i32
    %scan3A_126 = scf.for %scan3A_176 = %scan3A_122 to %scan3A_124 step %scan3A_125 iter_args(%scan3A_177 = %scan3A) -> (i32)  : i32 {
      %mul3A_178 = arith.constant 2 : i32
      %mul3A_179 = arith.muli %mul3A_178, %scan3A_176 : i32
      %mul3A_180 = arith.constant 32 : i32
      %mul3A_181 = arith.muli %mul3A_179, %mul3A_180 : i32
      %add3A_182 = arith.addi %mul3A_181, %add3A : i32
      %mul3A_183 = arith.constant 8192 : i32
      %mul3A_184 = arith.muli %add3A_182, %mul3A_183 : i32
      %dma_wait3A_185 = tpu.memref_slice %arg2[%mul3A_184] : memref<2000000xf32, #tpu.memory_space<hbm>> -> memref<8192xf32, #tpu.memory_space<hbm>>
      %dma_wait3A_186 = tpu.memref_slice %arg2[%mul3A_184] : memref<2000000xf32, #tpu.memory_space<hbm>> -> memref<8192xf32, #tpu.memory_space<hbm>>
      tpu.wait_dma2 semaphore(%arg12 : memref<!tpu.dma_semaphore, #tpu.memory_space<semaphore_mem>>) src(%dma_wait3A_186 : memref<8192xf32, #tpu.memory_space<hbm>>) dst(%arg5 : memref<8192xf32, #tpu.memory_space<vmem>>)
      %dma_wait3A_187 = tpu.memref_slice %arg3[%mul3A_184] : memref<2000000xf32, #tpu.memory_space<hbm>> -> memref<8192xf32, #tpu.memory_space<hbm>>
      %dma_wait3A_188 = tpu.memref_slice %arg3[%mul3A_184] : memref<2000000xf32, #tpu.memory_space<hbm>> -> memref<8192xf32, #tpu.memory_space<hbm>>
      tpu.wait_dma2 semaphore(%arg14 : memref<!tpu.dma_semaphore, #tpu.memory_space<semaphore_mem>>) src(%dma_wait3A_188 : memref<8192xf32, #tpu.memory_space<hbm>>) dst(%arg7 : memref<8192xf32, #tpu.memory_space<vmem>>)
      %parallel_loop3A_189 = arith.constant 0 : i32
      %parallel_loop3A_190 = arith.constant 512 : i32
      %parallel_loop3A_191 = arith.constant 1 : i32
      scf.for %parallel_loop3A_220 = %parallel_loop3A_189 to %parallel_loop3A_190 step %parallel_loop3A_191  : i32 {
        %parallel_loop3A_221 = arith.constant 16 : i32
        %parallel_loop3A_222 = arith.muli %parallel_loop3A_220, %parallel_loop3A_221 : i32
        %parallel_loop3A_223 = arith.index_cast %parallel_loop3A_222 : i32 to index
        %parallel_loop3A_224 = tpu.vector_load %arg5[%parallel_loop3A_223] {strides = array<i32>} : memref<8192xf32, #tpu.memory_space<vmem>>, vector<16xf32>,
        %parallel_loop3A_225 = arith.constant 16 : i32
        %parallel_loop3A_226 = arith.muli %parallel_loop3A_220, %parallel_loop3A_225 : i32
        %parallel_loop3A_227 = arith.index_cast %parallel_loop3A_226 : i32 to index
        %parallel_loop3A_228 = tpu.vector_load %arg7[%parallel_loop3A_227] {strides = array<i32>} : memref<8192xf32, #tpu.memory_space<vmem>>, vector<16xf32>,
        %parallel_loop3A_229 = arith.mulf %parallel_loop3A_224, %broadcast_in_dim3A_100 : vector<16xf32>
        %parallel_loop3A_230 = arith.fptosi %parallel_loop3A_229 : vector<16xf32> to vector<16xi32>
        %parallel_loop3A_231 = arith.shli %parallel_loop3A_230, %broadcast_in_dim3A_102 : vector<16xi32>
        %parallel_loop3A_232 = tpu.bitcast %parallel_loop3A_229 : vector<16xf32> -> vector<16xi32>
        %parallel_loop3A_233 = arith.subi %parallel_loop3A_232, %broadcast_in_dim3A_104 : vector<16xi32>
        %parallel_loop3A_234 = arith.cmpi ult, %parallel_loop3A_233, %broadcast_in_dim3A_106 : vector<16xi32>
        %parallel_loop3A_235 = arith.ori %parallel_loop3A_231, %iota3A : vector<16xi32>
        tpu.vector_store_idx %arg9[%parallel_loop3A_235], %broadcast_in_dim3A_98 masked %parallel_loop3A_234 {add = true} : memref<256xf32, #tpu.memory_space<vmem>>[vector<16xi32>], vector<16xf32>, vector<16xi1>
        tpu.vector_store_idx %arg10[%parallel_loop3A_235], %parallel_loop3A_224 masked %parallel_loop3A_234 {add = true} : memref<256xf32, #tpu.memory_space<vmem>>[vector<16xi32>], vector<16xf32>, vector<16xi1>
        tpu.vector_store_idx %arg11[%parallel_loop3A_235], %parallel_loop3A_228 masked %parallel_loop3A_234 {add = true} : memref<256xf32, #tpu.memory_space<vmem>>[vector<16xi32>], vector<16xf32>, vector<16xi1>
      } {sc.loop_unroll_factor = 4 : i64, sc.parallel_access}
      %add3A_192 = arith.constant 2 : i32
      %add3A_193 = arith.addi %mul3A_179, %add3A_192 : i32
      %lt3A = arith.constant 7 : i32
      %lt3A_194 = arith.cmpi slt, %add3A_193, %lt3A : i32
      %convert_element_type3A_195 = arith.extui %lt3A_194 : i1 to i32
      %cond3A_196 = arith.constant 0 : i32
      %cond3A_197 = arith.cmpi ne, %convert_element_type3A_195, %cond3A_196 : i32
      scf.if %cond3A_197 {
        %add3A_220 = arith.constant 2 : i32
        %add3A_221 = arith.addi %mul3A_179, %add3A_220 : i32
        %mul3A_222 = arith.constant 32 : i32
        %mul3A_223 = arith.muli %add3A_221, %mul3A_222 : i32
        %add3A_224 = arith.addi %mul3A_223, %add3A : i32
        %mul3A_225 = arith.constant 8192 : i32
        %mul3A_226 = arith.muli %add3A_224, %mul3A_225 : i32
        %dma_start3A_227 = tpu.memref_slice %arg2[%mul3A_226] : memref<2000000xf32, #tpu.memory_space<hbm>> -> memref<8192xf32, #tpu.memory_space<hbm>>
        %dma_start3A_228 = tpu.memref_slice %arg2[%mul3A_226] : memref<2000000xf32, #tpu.memory_space<hbm>> -> memref<8192xf32, #tpu.memory_space<hbm>>
        tpu.enqueue_dma source(%dma_start3A_228 : memref<8192xf32, #tpu.memory_space<hbm>>) target(%arg5 : memref<8192xf32, #tpu.memory_space<vmem>>) target_semaphore(%arg12 : memref<!tpu.dma_semaphore, #tpu.memory_space<semaphore_mem>>)
        %dma_start3A_229 = tpu.memref_slice %arg3[%mul3A_226] : memref<2000000xf32, #tpu.memory_space<hbm>> -> memref<8192xf32, #tpu.memory_space<hbm>>
        %dma_start3A_230 = tpu.memref_slice %arg3[%mul3A_226] : memref<2000000xf32, #tpu.memory_space<hbm>> -> memref<8192xf32, #tpu.memory_space<hbm>>
        tpu.enqueue_dma source(%dma_start3A_230 : memref<8192xf32, #tpu.memory_space<hbm>>) target(%arg7 : memref<8192xf32, #tpu.memory_space<vmem>>) target_semaphore(%arg14 : memref<!tpu.dma_semaphore, #tpu.memory_space<semaphore_mem>>)
      } else {
      }
      %add3A_198 = arith.constant 1 : i32
      %add3A_199 = arith.addi %mul3A_179, %add3A_198 : i32
      %mul3A_200 = arith.constant 32 : i32
      %mul3A_201 = arith.muli %add3A_199, %mul3A_200 : i32
      %add3A_202 = arith.addi %mul3A_201, %add3A : i32
      %mul3A_203 = arith.constant 8192 : i32
      %mul3A_204 = arith.muli %add3A_202, %mul3A_203 : i32
      %dma_wait3A_205 = tpu.memref_slice %arg2[%mul3A_204] : memref<2000000xf32, #tpu.memory_space<hbm>> -> memref<8192xf32, #tpu.memory_space<hbm>>
      %dma_wait3A_206 = tpu.memref_slice %arg2[%mul3A_204] : memref<2000000xf32, #tpu.memory_space<hbm>> -> memref<8192xf32, #tpu.memory_space<hbm>>
      tpu.wait_dma2 semaphore(%arg13 : memref<!tpu.dma_semaphore, #tpu.memory_space<semaphore_mem>>) src(%dma_wait3A_206 : memref<8192xf32, #tpu.memory_space<hbm>>) dst(%arg6 : memref<8192xf32, #tpu.memory_space<vmem>>)
      %dma_wait3A_207 = tpu.memref_slice %arg3[%mul3A_204] : memref<2000000xf32, #tpu.memory_space<hbm>> -> memref<8192xf32, #tpu.memory_space<hbm>>
      %dma_wait3A_208 = tpu.memref_slice %arg3[%mul3A_204] : memref<2000000xf32, #tpu.memory_space<hbm>> -> memref<8192xf32, #tpu.memory_space<hbm>>
      tpu.wait_dma2 semaphore(%arg15 : memref<!tpu.dma_semaphore, #tpu.memory_space<semaphore_mem>>) src(%dma_wait3A_208 : memref<8192xf32, #tpu.memory_space<hbm>>) dst(%arg8 : memref<8192xf32, #tpu.memory_space<vmem>>)
      %parallel_loop3A_209 = arith.constant 0 : i32
      %parallel_loop3A_210 = arith.constant 512 : i32
      %parallel_loop3A_211 = arith.constant 1 : i32
      scf.for %parallel_loop3A_220 = %parallel_loop3A_209 to %parallel_loop3A_210 step %parallel_loop3A_211  : i32 {
        %parallel_loop3A_221 = arith.constant 16 : i32
        %parallel_loop3A_222 = arith.muli %parallel_loop3A_220, %parallel_loop3A_221 : i32
        %parallel_loop3A_223 = arith.index_cast %parallel_loop3A_222 : i32 to index
        %parallel_loop3A_224 = tpu.vector_load %arg6[%parallel_loop3A_223] {strides = array<i32>} : memref<8192xf32, #tpu.memory_space<vmem>>, vector<16xf32>,
        %parallel_loop3A_225 = arith.constant 16 : i32
        %parallel_loop3A_226 = arith.muli %parallel_loop3A_220, %parallel_loop3A_225 : i32
        %parallel_loop3A_227 = arith.index_cast %parallel_loop3A_226 : i32 to index
        %parallel_loop3A_228 = tpu.vector_load %arg8[%parallel_loop3A_227] {strides = array<i32>} : memref<8192xf32, #tpu.memory_space<vmem>>, vector<16xf32>,
        %parallel_loop3A_229 = arith.mulf %parallel_loop3A_224, %broadcast_in_dim3A_100 : vector<16xf32>
        %parallel_loop3A_230 = arith.fptosi %parallel_loop3A_229 : vector<16xf32> to vector<16xi32>
        %parallel_loop3A_231 = arith.shli %parallel_loop3A_230, %broadcast_in_dim3A_102 : vector<16xi32>
        %parallel_loop3A_232 = tpu.bitcast %parallel_loop3A_229 : vector<16xf32> -> vector<16xi32>
        %parallel_loop3A_233 = arith.subi %parallel_loop3A_232, %broadcast_in_dim3A_104 : vector<16xi32>
        %parallel_loop3A_234 = arith.cmpi ult, %parallel_loop3A_233, %broadcast_in_dim3A_106 : vector<16xi32>
        %parallel_loop3A_235 = arith.ori %parallel_loop3A_231, %iota3A : vector<16xi32>
        tpu.vector_store_idx %arg9[%parallel_loop3A_235], %broadcast_in_dim3A_98 masked %parallel_loop3A_234 {add = true} : memref<256xf32, #tpu.memory_space<vmem>>[vector<16xi32>], vector<16xf32>, vector<16xi1>
        tpu.vector_store_idx %arg10[%parallel_loop3A_235], %parallel_loop3A_224 masked %parallel_loop3A_234 {add = true} : memref<256xf32, #tpu.memory_space<vmem>>[vector<16xi32>], vector<16xf32>, vector<16xi1>
        tpu.vector_store_idx %arg11[%parallel_loop3A_235], %parallel_loop3A_228 masked %parallel_loop3A_234 {add = true} : memref<256xf32, #tpu.memory_space<vmem>>[vector<16xi32>], vector<16xf32>, vector<16xi1>
      } {sc.loop_unroll_factor = 4 : i64, sc.parallel_access}
      %add3A_212 = arith.constant 3 : i32
      %add3A_213 = arith.addi %mul3A_179, %add3A_212 : i32
      %lt3A_214 = arith.constant 7 : i32
      %lt3A_215 = arith.cmpi slt, %add3A_213, %lt3A_214 : i32
      %convert_element_type3A_216 = arith.extui %lt3A_215 : i1 to i32
      %cond3A_217 = arith.constant 0 : i32
      %cond3A_218 = arith.cmpi ne, %convert_element_type3A_216, %cond3A_217 : i32
      scf.if %cond3A_218 {
        %add3A_220 = arith.constant 3 : i32
        %add3A_221 = arith.addi %mul3A_179, %add3A_220 : i32
        %mul3A_222 = arith.constant 32 : i32
        %mul3A_223 = arith.muli %add3A_221, %mul3A_222 : i32
        %add3A_224 = arith.addi %mul3A_223, %add3A : i32
        %mul3A_225 = arith.constant 8192 : i32
        %mul3A_226 = arith.muli %add3A_224, %mul3A_225 : i32
        %dma_start3A_227 = tpu.memref_slice %arg2[%mul3A_226] : memref<2000000xf32, #tpu.memory_space<hbm>> -> memref<8192xf32, #tpu.memory_space<hbm>>
        %dma_start3A_228 = tpu.memref_slice %arg2[%mul3A_226] : memref<2000000xf32, #tpu.memory_space<hbm>> -> memref<8192xf32, #tpu.memory_space<hbm>>
        tpu.enqueue_dma source(%dma_start3A_228 : memref<8192xf32, #tpu.memory_space<hbm>>) target(%arg6 : memref<8192xf32, #tpu.memory_space<vmem>>) target_semaphore(%arg13 : memref<!tpu.dma_semaphore, #tpu.memory_space<semaphore_mem>>)
        %dma_start3A_229 = tpu.memref_slice %arg3[%mul3A_226] : memref<2000000xf32, #tpu.memory_space<hbm>> -> memref<8192xf32, #tpu.memory_space<hbm>>
        %dma_start3A_230 = tpu.memref_slice %arg3[%mul3A_226] : memref<2000000xf32, #tpu.memory_space<hbm>> -> memref<8192xf32, #tpu.memory_space<hbm>>
        tpu.enqueue_dma source(%dma_start3A_230 : memref<8192xf32, #tpu.memory_space<hbm>>) target(%arg8 : memref<8192xf32, #tpu.memory_space<vmem>>) target_semaphore(%arg15 : memref<!tpu.dma_semaphore, #tpu.memory_space<semaphore_mem>>)
      } else {
      }
      %scan3A_219 = arith.constant 0 : i32
      scf.yield %scan3A_219 : i32
    }
    %scan3A_127 = arith.constant 3 : i32
    %mul3A_128 = arith.constant 5152 : i32
    %mul3A_129 = arith.muli %add3A, %mul3A_128 : i32
    %add3A_130 = arith.constant 1835008 : i32
    %add3A_131 = arith.addi %add3A_130, %mul3A_129 : i32
    %dma_start3A_132 = arith.constant 0 : i32
    %dma_start3A_133 = tpu.memref_slice %arg6[%dma_start3A_132] : memref<8192xf32, #tpu.memory_space<vmem>> -> memref<5152xf32, #tpu.memory_space<vmem>>
    %dma_start3A_134 = tpu.memref_slice %arg2[%add3A_131] : memref<2000000xf32, #tpu.memory_space<hbm>> -> memref<5152xf32, #tpu.memory_space<hbm>>
    %dma_start3A_135 = arith.constant 0 : i32
    %dma_start3A_136 = tpu.memref_slice %arg6[%dma_start3A_135] : memref<8192xf32, #tpu.memory_space<vmem>> -> memref<5152xf32, #tpu.memory_space<vmem>>
    %dma_start3A_137 = tpu.memref_slice %arg2[%add3A_131] : memref<2000000xf32, #tpu.memory_space<hbm>> -> memref<5152xf32, #tpu.memory_space<hbm>>
    tpu.enqueue_dma source(%dma_start3A_137 : memref<5152xf32, #tpu.memory_space<hbm>>) target(%dma_start3A_136 : memref<5152xf32, #tpu.memory_space<vmem>>) target_semaphore(%arg13 : memref<!tpu.dma_semaphore, #tpu.memory_space<semaphore_mem>>)
    %dma_start3A_138 = arith.constant 0 : i32
    %dma_start3A_139 = tpu.memref_slice %arg8[%dma_start3A_138] : memref<8192xf32, #tpu.memory_space<vmem>> -> memref<5152xf32, #tpu.memory_space<vmem>>
    %dma_start3A_140 = tpu.memref_slice %arg3[%add3A_131] : memref<2000000xf32, #tpu.memory_space<hbm>> -> memref<5152xf32, #tpu.memory_space<hbm>>
    %dma_start3A_141 = arith.constant 0 : i32
    %dma_start3A_142 = tpu.memref_slice %arg8[%dma_start3A_141] : memref<8192xf32, #tpu.memory_space<vmem>> -> memref<5152xf32, #tpu.memory_space<vmem>>
    %dma_start3A_143 = tpu.memref_slice %arg3[%add3A_131] : memref<2000000xf32, #tpu.memory_space<hbm>> -> memref<5152xf32, #tpu.memory_space<hbm>>
    tpu.enqueue_dma source(%dma_start3A_143 : memref<5152xf32, #tpu.memory_space<hbm>>) target(%dma_start3A_142 : memref<5152xf32, #tpu.memory_space<vmem>>) target_semaphore(%arg15 : memref<!tpu.dma_semaphore, #tpu.memory_space<semaphore_mem>>)
    %add3A_144 = arith.constant 192 : i32
    %add3A_145 = arith.addi %add3A_144, %add3A : i32
    %mul3A_146 = arith.constant 8192 : i32
    %mul3A_147 = arith.muli %add3A_145, %mul3A_146 : i32
    %dma_wait3A = tpu.memref_slice %arg2[%mul3A_147] : memref<2000000xf32, #tpu.memory_space<hbm>> -> memref<8192xf32, #tpu.memory_space<hbm>>
    %dma_wait3A_148 = tpu.memref_slice %arg2[%mul3A_147] : memref<2000000xf32, #tpu.memory_space<hbm>> -> memref<8192xf32, #tpu.memory_space<hbm>>
    tpu.wait_dma2 semaphore(%arg12 : memref<!tpu.dma_semaphore, #tpu.memory_space<semaphore_mem>>) src(%dma_wait3A_148 : memref<8192xf32, #tpu.memory_space<hbm>>) dst(%arg5 : memref<8192xf32, #tpu.memory_space<vmem>>)
    %dma_wait3A_149 = tpu.memref_slice %arg3[%mul3A_147] : memref<2000000xf32, #tpu.memory_space<hbm>> -> memref<8192xf32, #tpu.memory_space<hbm>>
    %dma_wait3A_150 = tpu.memref_slice %arg3[%mul3A_147] : memref<2000000xf32, #tpu.memory_space<hbm>> -> memref<8192xf32, #tpu.memory_space<hbm>>
    tpu.wait_dma2 semaphore(%arg14 : memref<!tpu.dma_semaphore, #tpu.memory_space<semaphore_mem>>) src(%dma_wait3A_150 : memref<8192xf32, #tpu.memory_space<hbm>>) dst(%arg7 : memref<8192xf32, #tpu.memory_space<vmem>>)
    %parallel_loop3A = arith.constant 0 : i32
    %parallel_loop3A_151 = arith.constant 512 : i32
    %parallel_loop3A_152 = arith.constant 1 : i32
    scf.for %parallel_loop3A_176 = %parallel_loop3A to %parallel_loop3A_151 step %parallel_loop3A_152  : i32 {
      %parallel_loop3A_177 = arith.constant 16 : i32
      %parallel_loop3A_178 = arith.muli %parallel_loop3A_176, %parallel_loop3A_177 : i32
      %parallel_loop3A_179 = arith.index_cast %parallel_loop3A_178 : i32 to index
      %parallel_loop3A_180 = tpu.vector_load %arg5[%parallel_loop3A_179] {strides = array<i32>} : memref<8192xf32, #tpu.memory_space<vmem>>, vector<16xf32>,
      %parallel_loop3A_181 = arith.constant 16 : i32
      %parallel_loop3A_182 = arith.muli %parallel_loop3A_176, %parallel_loop3A_181 : i32
      %parallel_loop3A_183 = arith.index_cast %parallel_loop3A_182 : i32 to index
      %parallel_loop3A_184 = tpu.vector_load %arg7[%parallel_loop3A_183] {strides = array<i32>} : memref<8192xf32, #tpu.memory_space<vmem>>, vector<16xf32>,
      %parallel_loop3A_185 = arith.mulf %parallel_loop3A_180, %broadcast_in_dim3A_100 : vector<16xf32>
      %parallel_loop3A_186 = arith.fptosi %parallel_loop3A_185 : vector<16xf32> to vector<16xi32>
      %parallel_loop3A_187 = arith.shli %parallel_loop3A_186, %broadcast_in_dim3A_102 : vector<16xi32>
      %parallel_loop3A_188 = tpu.bitcast %parallel_loop3A_185 : vector<16xf32> -> vector<16xi32>
      %parallel_loop3A_189 = arith.subi %parallel_loop3A_188, %broadcast_in_dim3A_104 : vector<16xi32>
      %parallel_loop3A_190 = arith.cmpi ult, %parallel_loop3A_189, %broadcast_in_dim3A_106 : vector<16xi32>
      %parallel_loop3A_191 = arith.ori %parallel_loop3A_187, %iota3A : vector<16xi32>
      tpu.vector_store_idx %arg9[%parallel_loop3A_191], %broadcast_in_dim3A_98 masked %parallel_loop3A_190 {add = true} : memref<256xf32, #tpu.memory_space<vmem>>[vector<16xi32>], vector<16xf32>, vector<16xi1>
      tpu.vector_store_idx %arg10[%parallel_loop3A_191], %parallel_loop3A_180 masked %parallel_loop3A_190 {add = true} : memref<256xf32, #tpu.memory_space<vmem>>[vector<16xi32>], vector<16xf32>, vector<16xi1>
      tpu.vector_store_idx %arg11[%parallel_loop3A_191], %parallel_loop3A_184 masked %parallel_loop3A_190 {add = true} : memref<256xf32, #tpu.memory_space<vmem>>[vector<16xi32>], vector<16xf32>, vector<16xi1>
    } {sc.loop_unroll_factor = 4 : i64, sc.parallel_access}
    %dma_wait3A_153 = arith.constant 0 : i32
    %dma_wait3A_154 = tpu.memref_slice %arg6[%dma_wait3A_153] : memref<8192xf32, #tpu.memory_space<vmem>> -> memref<5152xf32, #tpu.memory_space<vmem>>
    %dma_wait3A_155 = tpu.memref_slice %arg2[%add3A_131] : memref<2000000xf32, #tpu.memory_space<hbm>> -> memref<5152xf32, #tpu.memory_space<hbm>>
    %dma_wait3A_156 = arith.constant 0 : i32
    %dma_wait3A_157 = tpu.memref_slice %arg6[%dma_wait3A_156] : memref<8192xf32, #tpu.memory_space<vmem>> -> memref<5152xf32, #tpu.memory_space<vmem>>
    %dma_wait3A_158 = tpu.memref_slice %arg2[%add3A_131] : memref<2000000xf32, #tpu.memory_space<hbm>> -> memref<5152xf32, #tpu.memory_space<hbm>>
    tpu.wait_dma2 semaphore(%arg13 : memref<!tpu.dma_semaphore, #tpu.memory_space<semaphore_mem>>) src(%dma_wait3A_158 : memref<5152xf32, #tpu.memory_space<hbm>>) dst(%dma_wait3A_157 : memref<5152xf32, #tpu.memory_space<vmem>>)
    %dma_wait3A_159 = arith.constant 0 : i32
    %dma_wait3A_160 = tpu.memref_slice %arg8[%dma_wait3A_159] : memref<8192xf32, #tpu.memory_space<vmem>> -> memref<5152xf32, #tpu.memory_space<vmem>>
    %dma_wait3A_161 = tpu.memref_slice %arg3[%add3A_131] : memref<2000000xf32, #tpu.memory_space<hbm>> -> memref<5152xf32, #tpu.memory_space<hbm>>
    %dma_wait3A_162 = arith.constant 0 : i32
    %dma_wait3A_163 = tpu.memref_slice %arg8[%dma_wait3A_162] : memref<8192xf32, #tpu.memory_space<vmem>> -> memref<5152xf32, #tpu.memory_space<vmem>>
    %dma_wait3A_164 = tpu.memref_slice %arg3[%add3A_131] : memref<2000000xf32, #tpu.memory_space<hbm>> -> memref<5152xf32, #tpu.memory_space<hbm>>
    tpu.wait_dma2 semaphore(%arg15 : memref<!tpu.dma_semaphore, #tpu.memory_space<semaphore_mem>>) src(%dma_wait3A_164 : memref<5152xf32, #tpu.memory_space<hbm>>) dst(%dma_wait3A_163 : memref<5152xf32, #tpu.memory_space<vmem>>)
    %parallel_loop3A_165 = arith.constant 0 : i32
    %parallel_loop3A_166 = arith.constant 322 : i32
    %parallel_loop3A_167 = arith.constant 1 : i32
    scf.for %parallel_loop3A_176 = %parallel_loop3A_165 to %parallel_loop3A_166 step %parallel_loop3A_167  : i32 {
      %parallel_loop3A_177 = arith.constant 16 : i32
      %parallel_loop3A_178 = arith.muli %parallel_loop3A_176, %parallel_loop3A_177 : i32
      %parallel_loop3A_179 = arith.index_cast %parallel_loop3A_178 : i32 to index
      %parallel_loop3A_180 = tpu.vector_load %arg6[%parallel_loop3A_179] {strides = array<i32>} : memref<8192xf32, #tpu.memory_space<vmem>>, vector<16xf32>,
      %parallel_loop3A_181 = arith.constant 16 : i32
      %parallel_loop3A_182 = arith.muli %parallel_loop3A_176, %parallel_loop3A_181 : i32
      %parallel_loop3A_183 = arith.index_cast %parallel_loop3A_182 : i32 to index
      %parallel_loop3A_184 = tpu.vector_load %arg8[%parallel_loop3A_183] {strides = array<i32>} : memref<8192xf32, #tpu.memory_space<vmem>>, vector<16xf32>,
      %parallel_loop3A_185 = arith.mulf %parallel_loop3A_180, %broadcast_in_dim3A_100 : vector<16xf32>
      %parallel_loop3A_186 = arith.fptosi %parallel_loop3A_185 : vector<16xf32> to vector<16xi32>
      %parallel_loop3A_187 = arith.shli %parallel_loop3A_186, %broadcast_in_dim3A_102 : vector<16xi32>
      %parallel_loop3A_188 = tpu.bitcast %parallel_loop3A_185 : vector<16xf32> -> vector<16xi32>
      %parallel_loop3A_189 = arith.subi %parallel_loop3A_188, %broadcast_in_dim3A_104 : vector<16xi32>
      %parallel_loop3A_190 = arith.cmpi ult, %parallel_loop3A_189, %broadcast_in_dim3A_106 : vector<16xi32>
      %parallel_loop3A_191 = arith.ori %parallel_loop3A_187, %iota3A : vector<16xi32>
      tpu.vector_store_idx %arg9[%parallel_loop3A_191], %broadcast_in_dim3A_98 masked %parallel_loop3A_190 {add = true} : memref<256xf32, #tpu.memory_space<vmem>>[vector<16xi32>], vector<16xf32>, vector<16xi1>
      tpu.vector_store_idx %arg10[%parallel_loop3A_191], %parallel_loop3A_180 masked %parallel_loop3A_190 {add = true} : memref<256xf32, #tpu.memory_space<vmem>>[vector<16xi32>], vector<16xf32>, vector<16xi1>
      tpu.vector_store_idx %arg11[%parallel_loop3A_191], %parallel_loop3A_184 masked %parallel_loop3A_190 {add = true} : memref<256xf32, #tpu.memory_space<vmem>>[vector<16xi32>], vector<16xf32>, vector<16xi1>
    } {sc.loop_unroll_factor = 4 : i64, sc.parallel_access}
    %eq3A = arith.constant 31 : i32
    %eq3A_168 = arith.cmpi eq, %add3A, %eq3A : i32
    %convert_element_type3A = arith.extui %eq3A_168 : i1 to i32
    %cond3A = arith.constant 0 : i32
    %cond3A_169 = arith.cmpi ne, %convert_element_type3A, %cond3A : i32
    scf.if %cond3A_169 {
      "tpu.region"() ({
        %run_scoped3A = tpu.sem_alloc : memref<!tpu.dma_semaphore, #tpu.memory_space<semaphore_mem>>
        %dma_start3A_179 = arith.constant 0 : i32
        %dma_start3A_180 = tpu.memref_slice %arg5[%dma_start3A_179] : memref<8192xf32, #tpu.memory_space<vmem>> -> memref<128xf32, #tpu.memory_space<vmem>>
        %dma_start3A_181 = arith.constant 1999872 : i32
        %dma_start3A_182 = tpu.memref_slice %arg2[%dma_start3A_181] : memref<2000000xf32, #tpu.memory_space<hbm>> -> memref<128xf32, #tpu.memory_space<hbm>>
        %dma_start3A_183 = arith.constant 0 : i32
        %dma_start3A_184 = tpu.memref_slice %arg5[%dma_start3A_183] : memref<8192xf32, #tpu.memory_space<vmem>> -> memref<128xf32, #tpu.memory_space<vmem>>
        %dma_start3A_185 = arith.constant 1999872 : i32
        %dma_start3A_186 = tpu.memref_slice %arg2[%dma_start3A_185] : memref<2000000xf32, #tpu.memory_space<hbm>> -> memref<128xf32, #tpu.memory_space<hbm>>
        tpu.enqueue_dma source(%dma_start3A_186 : memref<128xf32, #tpu.memory_space<hbm>>) target(%dma_start3A_184 : memref<128xf32, #tpu.memory_space<vmem>>) target_semaphore(%run_scoped3A : memref<!tpu.dma_semaphore, #tpu.memory_space<semaphore_mem>>)
        %dma_wait3A_187 = arith.constant 0 : i32
        %dma_wait3A_188 = tpu.memref_slice %arg5[%dma_wait3A_187] : memref<8192xf32, #tpu.memory_space<vmem>> -> memref<128xf32, #tpu.memory_space<vmem>>
        %dma_wait3A_189 = arith.constant 1999872 : i32
        %dma_wait3A_190 = tpu.memref_slice %arg2[%dma_wait3A_189] : memref<2000000xf32, #tpu.memory_space<hbm>> -> memref<128xf32, #tpu.memory_space<hbm>>
        %dma_wait3A_191 = arith.constant 0 : i32
        %dma_wait3A_192 = tpu.memref_slice %arg5[%dma_wait3A_191] : memref<8192xf32, #tpu.memory_space<vmem>> -> memref<128xf32, #tpu.memory_space<vmem>>
        %dma_wait3A_193 = arith.constant 1999872 : i32
        %dma_wait3A_194 = tpu.memref_slice %arg2[%dma_wait3A_193] : memref<2000000xf32, #tpu.memory_space<hbm>> -> memref<128xf32, #tpu.memory_space<hbm>>
        tpu.wait_dma2 semaphore(%run_scoped3A : memref<!tpu.dma_semaphore, #tpu.memory_space<semaphore_mem>>) src(%dma_wait3A_194 : memref<128xf32, #tpu.memory_space<hbm>>) dst(%dma_wait3A_192 : memref<128xf32, #tpu.memory_space<vmem>>)
        tpu.yield
      }) : () -> ()
      "tpu.region"() ({
        %run_scoped3A = tpu.sem_alloc : memref<!tpu.dma_semaphore, #tpu.memory_space<semaphore_mem>>
        %dma_start3A_179 = arith.constant 0 : i32
        %dma_start3A_180 = tpu.memref_slice %arg7[%dma_start3A_179] : memref<8192xf32, #tpu.memory_space<vmem>> -> memref<128xf32, #tpu.memory_space<vmem>>
        %dma_start3A_181 = arith.constant 1999872 : i32
        %dma_start3A_182 = tpu.memref_slice %arg3[%dma_start3A_181] : memref<2000000xf32, #tpu.memory_space<hbm>> -> memref<128xf32, #tpu.memory_space<hbm>>
        %dma_start3A_183 = arith.constant 0 : i32
        %dma_start3A_184 = tpu.memref_slice %arg7[%dma_start3A_183] : memref<8192xf32, #tpu.memory_space<vmem>> -> memref<128xf32, #tpu.memory_space<vmem>>
        %dma_start3A_185 = arith.constant 1999872 : i32
        %dma_start3A_186 = tpu.memref_slice %arg3[%dma_start3A_185] : memref<2000000xf32, #tpu.memory_space<hbm>> -> memref<128xf32, #tpu.memory_space<hbm>>
        tpu.enqueue_dma source(%dma_start3A_186 : memref<128xf32, #tpu.memory_space<hbm>>) target(%dma_start3A_184 : memref<128xf32, #tpu.memory_space<vmem>>) target_semaphore(%run_scoped3A : memref<!tpu.dma_semaphore, #tpu.memory_space<semaphore_mem>>)
        %dma_wait3A_187 = arith.constant 0 : i32
        %dma_wait3A_188 = tpu.memref_slice %arg7[%dma_wait3A_187] : memref<8192xf32, #tpu.memory_space<vmem>> -> memref<128xf32, #tpu.memory_space<vmem>>
        %dma_wait3A_189 = arith.constant 1999872 : i32
        %dma_wait3A_190 = tpu.memref_slice %arg3[%dma_wait3A_189] : memref<2000000xf32, #tpu.memory_space<hbm>> -> memref<128xf32, #tpu.memory_space<hbm>>
        %dma_wait3A_191 = arith.constant 0 : i32
        %dma_wait3A_192 = tpu.memref_slice %arg7[%dma_wait3A_191] : memref<8192xf32, #tpu.memory_space<vmem>> -> memref<128xf32, #tpu.memory_space<vmem>>
        %dma_wait3A_193 = arith.constant 1999872 : i32
        %dma_wait3A_194 = tpu.memref_slice %arg3[%dma_wait3A_193] : memref<2000000xf32, #tpu.memory_space<hbm>> -> memref<128xf32, #tpu.memory_space<hbm>>
        tpu.wait_dma2 semaphore(%run_scoped3A : memref<!tpu.dma_semaphore, #tpu.memory_space<semaphore_mem>>) src(%dma_wait3A_194 : memref<128xf32, #tpu.memory_space<hbm>>) dst(%dma_wait3A_192 : memref<128xf32, #tpu.memory_space<vmem>>)
        tpu.yield
      }) : () -> ()
      %parallel_loop3A_176 = arith.constant 0 : i32
      %parallel_loop3A_177 = arith.constant 8 : i32
      %parallel_loop3A_178 = arith.constant 1 : i32
      scf.for %parallel_loop3A_179 = %parallel_loop3A_176 to %parallel_loop3A_177 step %parallel_loop3A_178  : i32 {
        %parallel_loop3A_180 = arith.constant 16 : i32
        %parallel_loop3A_181 = arith.muli %parallel_loop3A_179, %parallel_loop3A_180 : i32
        %parallel_loop3A_182 = arith.index_cast %parallel_loop3A_181 : i32 to index
        %parallel_loop3A_183 = tpu.vector_load %arg5[%parallel_loop3A_182] {strides = array<i32>} : memref<8192xf32, #tpu.memory_space<vmem>>, vector<16xf32>,
        %parallel_loop3A_184 = arith.constant 16 : i32
        %parallel_loop3A_185 = arith.muli %parallel_loop3A_179, %parallel_loop3A_184 : i32
        %parallel_loop3A_186 = arith.index_cast %parallel_loop3A_185 : i32 to index
        %parallel_loop3A_187 = tpu.vector_load %arg7[%parallel_loop3A_186] {strides = array<i32>} : memref<8192xf32, #tpu.memory_space<vmem>>, vector<16xf32>,
        %parallel_loop3A_188 = arith.mulf %parallel_loop3A_183, %broadcast_in_dim3A_100 : vector<16xf32>
        %parallel_loop3A_189 = arith.fptosi %parallel_loop3A_188 : vector<16xf32> to vector<16xi32>
        %parallel_loop3A_190 = arith.shli %parallel_loop3A_189, %broadcast_in_dim3A_102 : vector<16xi32>
        %parallel_loop3A_191 = tpu.bitcast %parallel_loop3A_188 : vector<16xf32> -> vector<16xi32>
        %parallel_loop3A_192 = arith.subi %parallel_loop3A_191, %broadcast_in_dim3A_104 : vector<16xi32>
        %parallel_loop3A_193 = arith.cmpi ult, %parallel_loop3A_192, %broadcast_in_dim3A_106 : vector<16xi32>
        %parallel_loop3A_194 = arith.ori %parallel_loop3A_190, %iota3A : vector<16xi32>
        tpu.vector_store_idx %arg9[%parallel_loop3A_194], %broadcast_in_dim3A_98 masked %parallel_loop3A_193 {add = true} : memref<256xf32, #tpu.memory_space<vmem>>[vector<16xi32>], vector<16xf32>, vector<16xi1>
        tpu.vector_store_idx %arg10[%parallel_loop3A_194], %parallel_loop3A_183 masked %parallel_loop3A_193 {add = true} : memref<256xf32, #tpu.memory_space<vmem>>[vector<16xi32>], vector<16xf32>, vector<16xi1>
        tpu.vector_store_idx %arg11[%parallel_loop3A_194], %parallel_loop3A_187 masked %parallel_loop3A_193 {add = true} : memref<256xf32, #tpu.memory_space<vmem>>[vector<16xi32>], vector<16xf32>, vector<16xi1>
      } {sc.loop_unroll_factor = 4 : i64, sc.parallel_access}
    } else {
    }
    %mul3A_170 = arith.constant 768 : i32
    %mul3A_171 = arith.muli %add3A, %mul3A_170 : i32
    "tpu.region"() ({
      %run_scoped3A = tpu.sem_alloc : memref<!tpu.dma_semaphore, #tpu.memory_space<semaphore_mem>>
      %dma_start3A_176 = tpu.memref_slice %arg4[%mul3A_171] : memref<24576xf32, #tpu.memory_space<hbm>> -> memref<256xf32, #tpu.memory_space<hbm>>
      %dma_start3A_177 = tpu.memref_slice %arg4[%mul3A_171] : memref<24576xf32, #tpu.memory_space<hbm>> -> memref<256xf32, #tpu.memory_space<hbm>>
      tpu.enqueue_dma source(%arg9 : memref<256xf32, #tpu.memory_space<vmem>>) target(%dma_start3A_177 : memref<256xf32, #tpu.memory_space<hbm>>) target_semaphore(%run_scoped3A : memref<!tpu.dma_semaphore, #tpu.memory_space<semaphore_mem>>)
      %dma_wait3A_178 = tpu.memref_slice %arg4[%mul3A_171] : memref<24576xf32, #tpu.memory_space<hbm>> -> memref<256xf32, #tpu.memory_space<hbm>>
      %dma_wait3A_179 = tpu.memref_slice %arg4[%mul3A_171] : memref<24576xf32, #tpu.memory_space<hbm>> -> memref<256xf32, #tpu.memory_space<hbm>>
      tpu.wait_dma2 semaphore(%run_scoped3A : memref<!tpu.dma_semaphore, #tpu.memory_space<semaphore_mem>>) src(%arg9 : memref<256xf32, #tpu.memory_space<vmem>>) dst(%dma_wait3A_179 : memref<256xf32, #tpu.memory_space<hbm>>)
      tpu.yield
    }) : () -> ()
    %add3A_172 = arith.constant 256 : i32
    %add3A_173 = arith.addi %mul3A_171, %add3A_172 : i32
    "tpu.region"() ({
      %run_scoped3A = tpu.sem_alloc : memref<!tpu.dma_semaphore, #tpu.memory_space<semaphore_mem>>
      %dma_start3A_176 = tpu.memref_slice %arg4[%add3A_173] : memref<24576xf32, #tpu.memory_space<hbm>> -> memref<256xf32, #tpu.memory_space<hbm>>
      %dma_start3A_177 = tpu.memref_slice %arg4[%add3A_173] : memref<24576xf32, #tpu.memory_space<hbm>> -> memref<256xf32, #tpu.memory_space<hbm>>
      tpu.enqueue_dma source(%arg10 : memref<256xf32, #tpu.memory_space<vmem>>) target(%dma_start3A_177 : memref<256xf32, #tpu.memory_space<hbm>>) target_semaphore(%run_scoped3A : memref<!tpu.dma_semaphore, #tpu.memory_space<semaphore_mem>>)
      %dma_wait3A_178 = tpu.memref_slice %arg4[%add3A_173] : memref<24576xf32, #tpu.memory_space<hbm>> -> memref<256xf32, #tpu.memory_space<hbm>>
      %dma_wait3A_179 = tpu.memref_slice %arg4[%add3A_173] : memref<24576xf32, #tpu.memory_space<hbm>> -> memref<256xf32, #tpu.memory_space<hbm>>
      tpu.wait_dma2 semaphore(%run_scoped3A : memref<!tpu.dma_semaphore, #tpu.memory_space<semaphore_mem>>) src(%arg10 : memref<256xf32, #tpu.memory_space<vmem>>) dst(%dma_wait3A_179 : memref<256xf32, #tpu.memory_space<hbm>>)
      tpu.yield
    }) : () -> ()
    %add3A_174 = arith.constant 512 : i32
    %add3A_175 = arith.addi %mul3A_171, %add3A_174 : i32
    "tpu.region"() ({
      %run_scoped3A = tpu.sem_alloc : memref<!tpu.dma_semaphore, #tpu.memory_space<semaphore_mem>>
      %dma_start3A_176 = tpu.memref_slice %arg4[%add3A_175] : memref<24576xf32, #tpu.memory_space<hbm>> -> memref<256xf32, #tpu.memory_space<hbm>>
      %dma_start3A_177 = tpu.memref_slice %arg4[%add3A_175] : memref<24576xf32, #tpu.memory_space<hbm>> -> memref<256xf32, #tpu.memory_space<hbm>>
      tpu.enqueue_dma source(%arg11 : memref<256xf32, #tpu.memory_space<vmem>>) target(%dma_start3A_177 : memref<256xf32, #tpu.memory_space<hbm>>) target_semaphore(%run_scoped3A : memref<!tpu.dma_semaphore, #tpu.memory_space<semaphore_mem>>)
      %dma_wait3A_178 = tpu.memref_slice %arg4[%add3A_175] : memref<24576xf32, #tpu.memory_space<hbm>> -> memref<256xf32, #tpu.memory_space<hbm>>
      %dma_wait3A_179 = tpu.memref_slice %arg4[%add3A_175] : memref<24576xf32, #tpu.memory_space<hbm>> -> memref<256xf32, #tpu.memory_space<hbm>>
      tpu.wait_dma2 semaphore(%run_scoped3A : memref<!tpu.dma_semaphore, #tpu.memory_space<semaphore_mem>>) src(%arg11 : memref<256xf32, #tpu.memory_space<vmem>>) dst(%dma_wait3A_179 : memref<256xf32, #tpu.memory_space<hbm>>)
      tpu.yield
    }) : () -> ()
    return
  }
}

</mosaic_0001>

<sc_bundles>
// kernel: kernel.3.cloned.1.call-start
scs
__scs_entry_jumppad:
0x0: {  	(pc) =	sbr.rel $0x88, $3  }
0x1: {  	(tag) =	ssettag $0x0;
	lr =	simm.s32 $0x1  }
0x2: {  	[smem:$0x3F9F] =	sst lr;
	_ =	strace $0xD0000000  }
0x3: {  	_ = 	snop  }
0x4: {  	_ = 	snop  }
0x5: {  	_ = 	snop  }
0x6: {  	_ = 	snop  }
0x7: {  	_ = 	snop  }
__scs_overlays_trampoline_lowered:
0x8: {  	[smem:$0x3FAE] =	sst s0  }
0x9: {  	[smem:$0x3FAF] =	sst s1  }
0xa: {  	[smem:$0x3FB0] =	sst s2  }
0xb: {  	[smem:$0x3FB1] =	sst s3  }
0xc: {  	[smem:$0x3FB2] =	sst s4  }
0xd: {  	[smem:$0x3FB3] =	sst s5  }
0xe: {  	[smem:$0x3FB4] =	sst s6  }
0xf: {  	[smem:$0x3FB5] =	sst s7  }
0x10: {  	[smem:$0x3FB6] =	sst s8  }
0x11: {  	[smem:$0x3FB7] =	sst s9;
	s0 =	simm.s32 @!p0 $0x0  }
0x12: {  	s1 =	sld [smem:$0x3F9D];
	s0 =	simm.s32 @p0 $0x1  }
0x13: {  	[smem:$0x3FB8] =	sst s0;
	s0 =	simm.s32 @!p1 $0x0  }
0x14: {  	s2 =	sld [smem:$0x3F9C];
	s0 =	simm.s32 @p1 $0x1  }
0x15: {  	[smem:$0x3FB9] =	sst s0;
	s0 =	simm.s32 @!p2 $0x0  }
0x16: {  	s3 =	sld [smem:$0x3FDB];
	s0 =	simm.s32 @p2 $0x1  }
0x17: {  	s4 =	simm.s32 $0x1BF5;
	[smem:$0x3FBB] =	sst s0  }
0x18: {  	s0 =	sld [smem:$0x3F9E];
	_ =	swait.ge [sflag:s4], $0x0  }
0x19: {  	s7 =	sld [smem:$0x3F9F]  }
0x1a: {  	s8 =	sadd.s32 $0xFFFFE003, lr  }
0x1b: {  	s9 =	sadd.s32 $0xFFFFFEF7, lr;
	s5 =	simm.s32 $0xFFFFFFFF;
	p2 =	slt.u32 s8, $0xFFFFF086  }
0x1c: {  	p1 =	slt.u32 s9, $0xF7A;
	s5 =	simm.s32 @!p2 $0x0  }
0x1d: {  	s5 =	simm.s32 @p1 $0x1;
	p0 =	seq.s32 s7, s2  }
0x1e: {  	s7 =	smul.u32 @!p0 $0xF7A, s2;
	p2 =	seq.s32 @!p0 s5, $0x0  }
0x1f: {  	s9 =	smul.u32 $0xF7A, s1;
	s8 =	simm.s32 @!p0 $0x1BF5;
	p2 =	por !p2, p0  }
0x20: {  	[sflag:s8] =	ssyncset.s32 @!p0 $0xFFFFF086;
	s6 =	sadd.s32 @!p0 s3, s7;
	s7 =	simm.s32 @!p0 $0x108  }
0x21: {  	s3 =	sadd.s32 s3, s9;
	s6 =	sadd.s32 @!p0 $0x88, s6;
	s7 =	simm.s32 @p2 $0x1082  }
0x22: {  	[simem:s7], [sflag:s8] =	dma.local @!p0 [hbm:s6], $0xF7A  }
0x23: {  	s9 =	sor.u32 $0xD0000000, s2;
	s6 =	simm.s32 $0x108;
	_ =	swait.ge @!p0 [sflag:s8], $0x0  }
0x24: {  	s3 =	sadd.s32 $0x88, s3;
	s6 =	simm.s32 @!p1 $0x1082;
	[sflag:s4] =	ssyncset.s32 $0xFFFFF086  }
0x25: {  	[simem:s6], [sflag:s4] =	dma.local [hbm:s3], $0xF7A  }
0x26: {  	[smem:$0x3F9F] =	sst s1;
	(tag) =	ssettag s2;
	_ =	strace s9  }
0x27: {  	s1 =	sld [smem:$0x3FAF]  }
0x28: {  	s2 =	sld [smem:$0x3FB0]  }
0x29: {  	s4 =	sld [smem:$0x3FB2]  }
0x2a: {  	p0 =	seq.s32 s5, $0x0;
	s5 =	sld [smem:$0x3FB3]  }
0x2b: {  	s6 =	sld [smem:$0x3FB4]  }
0x2c: {  	s7 =	sld [smem:$0x3FB5]  }
0x2d: {  	s3 =	simm.s32 $0x108;
	s8 =	sld [smem:$0x3FB6]  }
0x2e: {  	s3 =	simm.s32 @!p0 $0x1082;
	s9 =	sld [smem:$0x3FB7]  }
0x2f: {  	lr =	sadd.s32 s0, s3;
	s0 =	sld [smem:$0x3FAE]  }
0x30: {  	s3 =	sld [smem:$0x3FB1]  }
0x31: {  	[smem:$0x3FBA] =	sst s10  }
0x32: {  	s10 =	sld [smem:$0x3FB8];
	_ =	sdelay $0x3  }
0x33: {  	p0 =	seq.s32 s10, $0x1;
	s10 =	sld [smem:$0x3FBA];
	_ =	sdelay $0x3  }
0x34: {  	[smem:$0x3FBA] =	sst s10  }
0x35: {  	s10 =	sld [smem:$0x3FB9];
	_ =	sdelay $0x3  }
0x36: {  	p1 =	seq.s32 s10, $0x1;
	s10 =	sld [smem:$0x3FBA];
	_ =	sdelay $0x3  }
0x37: {  	[smem:$0x3FBA] =	sst s10  }
0x38: {  	s10 =	sld [smem:$0x3FBB]  }
0x39: {  	_ = 	snop;
	(pc) =	sbr.ind lr, $3  }
0x3a: {  	_ = 	snop  }
0x3b: {  	_ = 	snop  }
0x3c: {  	p2 =	seq.s32 s10, $0x1;
	s10 =	sld [smem:$0x3FBA]  }
0x3d: {  	_ =	shalt  }
0x3e: {  	_ =	shalt  }
0x3f: {  	_ =	shalt  }
0x40: {  	_ =	shalt  }
0x41: {  	_ =	shalt  }
0x42: {  	_ =	shalt  }
0x43: {  	_ =	shalt  }
0x44: {  	_ =	shalt  }
0x45: {  	_ =	shalt  }
0x46: {  	_ =	shalt  }
0x47: {  	_ =	shalt  }
0x48: {  	_ =	shalt  }
0x49: {  	_ =	shalt  }
0x4a: {  	_ =	shalt  }
0x4b: {  	_ =	shalt  }
0x4c: {  	_ =	shalt  }
0x4d: {  	_ =	shalt  }
0x4e: {  	_ =	shalt  }
0x4f: {  	_ =	shalt  }
0x50: {  	_ =	shalt  }
0x51: {  	_ =	shalt  }
0x52: {  	_ =	shalt  }
0x53: {  	_ =	shalt  }
0x54: {  	_ =	shalt  }
0x55: {  	_ =	shalt  }
0x56: {  	_ =	shalt  }
0x57: {  	_ =	shalt  }
0x58: {  	_ =	shalt  }
0x59: {  	_ =	shalt  }
0x5a: {  	_ =	shalt  }
0x5b: {  	_ =	shalt  }
0x5c: {  	_ =	shalt  }
0x5d: {  	_ =	shalt  }
0x5e: {  	_ =	shalt  }
0x5f: {  	_ =	shalt  }
0x60: {  	_ =	shalt  }
0x61: {  	_ =	shalt  }
0x62: {  	_ =	shalt  }
0x63: {  	_ =	shalt  }
0x64: {  	_ =	shalt  }
0x65: {  	_ =	shalt  }
0x66: {  	_ =	shalt  }
0x67: {  	_ =	shalt  }
0x68: {  	_ =	shalt  }
0x69: {  	_ =	shalt  }
0x6a: {  	_ =	shalt  }
0x6b: {  	_ =	shalt  }
0x6c: {  	_ =	shalt  }
0x6d: {  	_ =	shalt  }
0x6e: {  	_ =	shalt  }
0x6f: {  	_ =	shalt  }
0x70: {  	_ =	shalt  }
0x71: {  	_ =	shalt  }
0x72: {  	_ =	shalt  }
0x73: {  	_ =	shalt  }
0x74: {  	_ =	shalt  }
0x75: {  	_ =	shalt  }
0x76: {  	_ =	shalt  }
0x77: {  	_ =	shalt  }
0x78: {  	_ =	shalt  }
0x79: {  	_ =	shalt  }
0x7a: {  	_ =	shalt  }
0x7b: {  	_ =	shalt  }
0x7c: {  	_ =	shalt  }
0x7d: {  	_ =	shalt  }
0x7e: {  	_ =	shalt  }
0x7f: {  	_ =	shalt  }
0x80: {  	_ =	shalt  }
0x81: {  	_ =	shalt  }
0x82: {  	_ =	shalt  }
0x83: {  	_ =	shalt  }
0x84: {  	_ =	shalt  }
0x85: {  	_ =	shalt  }
0x86: {  	_ =	shalt  }
0x87: {  	_ =	shalt  }
.Lfunc_end0:
.L_simem_size_0:
called_computation_lowered:
.L_overlay_start_0:
0x88: {  	s2 =	sld [smem:$0x3FD9]  }
0x89: {  	s3 =	sld [smem:$0x3FFE];
	_ =	sdelay $0x1  }
0x8a: {  	s1 =	srdreg.scid  }
0x8b: {  	s0 =	sand.u32 $0x1, s1  }
0x8c: {  	s17 =	sshll.u32 s0, $0xA;
	s2 =	sadd.s32 s3, s2  }
0x8d: {  	s2 =	sadd.s32 s2, s17  }
0x8e: {  	[smem:$0x3FC6] =	sst s2  }
0x8f: {  	_ = 	snop  }
0x90: {  	s2 =	sld [smem:$0x3FC9]  }
0x91: {  	s18 =	sld [smem:$0x3FC8];
	(tm) =	ssettm $0x1  }
0x92: {  	s4 =	sld [smem:$0x3FFB];
	_ =	sdelay $0x3  }
0x93: {  	_ =	strace s4  }
0x94: {  	s4 =	sld [smem:$0x3FFC];
	_ =	sdelay $0x3  }
0x95: {  	_ =	strace s4  }
0x96: {  	s4 =	sld [smem:$0x3FFD];
	_ =	sdelay $0x3  }
0x97: {  	_ =	strace s4  }
0x98: {  	_ =	strace $0x8FFFFFFF  }
0x99: {  	s19 =	sld [smem:$0x3FDB];
	_ =	sdelay $0x1  }
0x9a: {  	s5 =	simm.s32 $_scs_section_size  }
0x9b: {  	s6 =	simm.s32 $_size__tile_overlayer_lowered;
	s7 =	simm.s32 $_tile_overlayer_lowered  }
0x9c: {  	s22 =	simm.s32 $0x1BFF;
	s21 =	sshll.u32 s7, $0x1;
	s4 =	sadd.s32 s5, s19  }
0x9d: {  	s8 =	simm.s32 $0x0;
	s20 =	sshll.u32 s6, $0x1;
	s6 =	sadd.s32 s21, s4  }
0x9e: {  	[timem:s8], [sflag:s22] =	dma.local [hbm:s6], s20  }
0x9f: {  	_ =	swait.ge [sflag:s22], s20  }
0xa0: {  	s5 =	ssub.s32 $0x0, s20;
	[sflag:s22] =	ssyncset.done $0x0  }
0xa1: {  	[sflag:s22] =	ssyncadd.s32 s5;
	_ =	sdelay $0x1  }
0xa2: {  	s23 =	simm.s32 $0x1B8B  }
0xa3: {  	_ =	swait.ge [sflag:s23], $0x1  }
0xa4: {  	[sflag:s23] =	ssyncset.done $0x0  }
0xa5: {  	s25 =	simm.s32 $0x1B8E;
	s24 =	sld [smem:$0x3FFE];
	[sflag:s23] =	ssyncadd.s32 $0xFFFFFFFF  }
0xa6: {  	s26 =	simm.s32 $execute0_lowered;
	[smem:$0x3FD2] =	sst s25  }
0xa7: {  	s6 =	sshll.u32 s26, $0x1;
	_ =	strace $0x80000046;
	[dreg:$0x1] =	wrdreg $0xFFFFFFFF  }
0xa8: {  	s28 =	simm.s32 $_size_execute0_lowered;
	s4 =	sadd.s32 s4, s6;
	[dreg:$0x0] =	wrdreg $0x0  }
0xa9: {  	s6 =	sshll.u32 s28, $0x1;
	[dreg:$0x2] =	wrdreg s4  }
0xaa: {  	[dreg:$0x3] =	wrdreg s6  }
0xab: {  	[dreg:$0x4] =	wrdreg $0xC0  }
0xac: {  	_ =	task [dreg:s8], $0x5FFFF  }
0xad: {  	[dreg:$0x1] =	wrdreg $0xFFFFFFFF  }
0xae: {  	[dreg:$0x0] =	wrdreg $0x60  }
0xaf: {  	[dreg:$0x2] =	wrdreg s2  }
0xb0: {  	[dreg:$0x3] =	wrdreg s18  }
0xb1: {  	[dreg:$0x4] =	wrdreg s24  }
0xb2: {  	[dreg:$0x5] =	wrdreg $0x9  }
0xb3: {  	_ =	task.clear_ibuf [dreg:s8], $0x6FFFF;
	_ =	strace $0x90000046  }
0xb4: {  	s29 =	simm.s32 $0x9;
	_ =	strace $0x80000048  }
0xb5: {  	_ =	swait.ge [sflag:s29], $0x1  }
0xb6: {  	[sflag:s29] =	ssyncadd.s32 $0xFFFFFFFF  }
0xb7: {  	_ =	strace $0x90000048  }
0xb8: {  	_ =	sfence  }
0xb9: {  	s30 =	sld [smem:$0x0];
	_ =	sdelay $0x2  }
0xba: {  	s31 =	sshll.u32 s1, $0xD;
	s1 =	sshrl.u32 s1, $0x2  }
0xbb: {  	s3 =	sand.u32 $0x4000, s31;
	s1 =	sadd.s32 s1, s30  }
0xbc: {  	s0 =	sor.u32 s3, s0;
	s1 =	sshll.u32 s1, $0x11  }
0xbd: {  	s0 =	sor.u32 s1, s0  }
0xbe: {  	s0 =	sadd.s32 $0x8F2B, s0  }
0xbf: {  	[sflag:s0] =	ssyncadd.remote.s32 $0x1  }
0xc0: {  	_ =	sfence.sel $0xFFFF  }
0xc1: {  	[dreg:$0x0] =	wrdreg $0xFFFFFFFF;
	(pc) =	sbr.abs _section_cstart, $3  }
0xc2: {  	[dreg:$0x1] =	wrdreg $0xFFFFFFFF  }
0xc3: {  	_ =	task.clear_ibuf [dreg:s8], $0x2FFFF;
	_ =	strace $0x9FFFFFFF  }
0xc4: {  	(tm) =	ssettm $0x7FFFFFFF  }
0xc5: {  	_ =	shalt  }
tec
execute0_lowered:
.L_overlay_start_1:
0x0: {  	(tag) =	ssettag $0x1  }
0x1: {  	s1 =	rddreg [dreg:$0x0]  }
0x2: {  	s3 =	rddreg [dreg:$0x1]  }
0x3: {  	s0 =	rddreg [dreg:$0x2]  }
0x4: {  	s2 =	srdreg.scid;
	s5 =	stileid.u32;
	s4 =	simm.s32 $0x0  }
0x5: {  	s19 =	simm.s32 $0x4000;
	s20 =	simm.s32 $0x2000;
	s21 =	simm.s32 $0x6000  }
0x6: {  	s22 =	simm.s32 $0x1;
	s28 =	simm.s32 $0x2;
	s29 =	simm.s32 $0x4  }
0x7: {  	s30 =	simm.s32 $0x5;
	s31 =	simm.s32 $0x0;
	s2 =	sand.u32 $0x1, s2  }
0x8: {  	s5 =	sshll.u32 s5, $0x1;
	[smem:$0x7FF] =	sst s4;
	s25 =	sadd.s32 $0x3D080, s1  }
0x9: {  	s26 =	sadd.s32 $0x3D080, s3;
	_ =	strace $0x80000047;
	[dreg:$0x5] =	wrdreg s25  }
0xa: {  	s6 =	ssub.s32 $0x2, s2;
	s2 =	sor.u32 s2, s5;
	[dreg:$0x6] =	wrdreg s26  }
0xb: {  	s25 =	simm.s32 $0x8100;
	s26 =	simm.s32 $0x8200;
	s11 =	smul.u32 $0x284, s2  }
0xc: {  	s23 =	sshrl.u32 s6, $0x1;
	s10 =	sshll.u32 s2, $0xA;
	s12 =	smul.u32 $0x300, s2  }
0xd: {  	p0 =	sne.s32 s2, $0x1F;
	s5 =	ssub.s32 s6, s23;
	s24 =	sadd.s32 s1, s10  }
0xe: {  	s6 =	sadd.s32 s3, s10;
	s8 =	sor.u32 $0x8000, s10;
	s9 =	sor.u32 $0x10000, s10  }
.Ltmp0:
0xf: {  	s10 =	sor.u32 $0x18000, s10;
	s23 =	simm.s32 $0x3;
	(pc) =	sbr.rel .LBB2_1-.Ltmp0, $4  }
0x10: {  	[dreg:$0x4] =	wrdreg s24;
	s7 =	sadd.s32 s1, s8;
	s8 =	sadd.s32 s3, s8  }
0x11: {  	s13 =	sor.u32 $0x38000, s11;
	s14 =	sshrl.u32 s12, $0x3;
	s18 =	smax.u32 s5, $0x1  }
0x12: {  	s11 =	sadd.s32 s1, s13;
	s12 =	sadd.s32 s3, s13;
	s13 =	sadd.s32 s0, s14  }
0x13: {  	v0 =	vimm.f32 $0.0e+00;
	v1 =	vlaneseq.u32;
	v2 =	vimm.f32 $1.000000000e+00;
	s24 =	simm.s32 $0x8000;
	s16 =	sadd.s32 $0x20, s13;
	s17 =	sadd.s32 $0x40, s13  }
.LBB2_17:
0x14: {  	[hbm4b:s13+s4] =	stream.linear.scatter [tilespmem:s24], [sflag:$0x5], $0x100, $0x38;
	[tilespmem:$0x8300] =	vst v63  }
0x15: {  	_ =	swait.ge [sflag:s30], $0x100  }
0x16: {  	[sflag:s30] =	ssyncset.done $0x0  }
0x17: {  	[sflag:s30] =	ssyncadd.s32 $0xFFFFFF00  }
0x18: {  	[hbm4b:s16+s4] =	stream.linear.scatter [tilespmem:s25], [sflag:$0x5], $0x100, $0x38;
	[tilespmem:$0x8300] =	vst v63  }
0x19: {  	s31 =	sadd.s32 $0x1, s31;
	_ =	swait.ge [sflag:s30], $0x100  }
0x1a: {  	p1 =	sne.s32 s31, s18;
	[sflag:s30] =	ssyncset.done $0x0  }
.Ltmp1:
0x1b: {  	[sflag:s30] =	ssyncadd.s32 $0xFFFFFF00;
	(pc) =	sbr.rel @!p1 .LBB2_18-.Ltmp1, $4  }
0x1c: {  	[hbm4b:s17+s4] =	stream.linear.scatter [tilespmem:s26], [sflag:$0x5], $0x100, $0x38;
	[tilespmem:$0x8300] =	vst v63  }
0x1d: {  	_ =	swait.ge [sflag:s30], $0x100  }
0x1e: {  	[sflag:s30] =	ssyncset.done $0x0  }
0x1f: {  	[sflag:s30] =	ssyncadd.s32 $0xFFFFFF00  }
.LBB2_1:
0x20: {  	[tilespmem:$0x8000] =	vst v0  }
0x21: {  	[tilespmem:$0x8100] =	vst v0  }
0x22: {  	[tilespmem:$0x8200] =	vst v0  }
0x23: {  	[tilespmem:$0x8010] =	vst v0  }
0x24: {  	[tilespmem:$0x8110] =	vst v0  }
0x25: {  	[tilespmem:$0x8210] =	vst v0  }
0x26: {  	[tilespmem:$0x8020] =	vst v0  }
0x27: {  	[tilespmem:$0x8120] =	vst v0  }
0x28: {  	[tilespmem:$0x8220] =	vst v0  }
0x29: {  	[tilespmem:$0x8030] =	vst v0  }
0x2a: {  	[tilespmem:$0x8130] =	vst v0  }
0x2b: {  	[tilespmem:$0x8230] =	vst v0  }
0x2c: {  	[tilespmem:$0x8040] =	vst v0  }
0x2d: {  	[tilespmem:$0x8140] =	vst v0  }
0x2e: {  	[tilespmem:$0x8240] =	vst v0  }
0x2f: {  	[tilespmem:$0x8050] =	vst v0  }
0x30: {  	[tilespmem:$0x8150] =	vst v0  }
0x31: {  	[tilespmem:$0x8250] =	vst v0  }
0x32: {  	[tilespmem:$0x8060] =	vst v0  }
0x33: {  	[tilespmem:$0x8160] =	vst v0  }
0x34: {  	[tilespmem:$0x8260] =	vst v0  }
0x35: {  	[tilespmem:$0x8070] =	vst v0  }
0x36: {  	[tilespmem:$0x8170] =	vst v0  }
0x37: {  	[tilespmem:$0x8270] =	vst v0  }
0x38: {  	[tilespmem:$0x8080] =	vst v0  }
0x39: {  	[tilespmem:$0x8180] =	vst v0  }
0x3a: {  	[tilespmem:$0x8280] =	vst v0  }
0x3b: {  	[tilespmem:$0x8090] =	vst v0  }
0x3c: {  	[tilespmem:$0x8190] =	vst v0  }
0x3d: {  	[tilespmem:$0x8290] =	vst v0  }
0x3e: {  	[tilespmem:$0x80A0] =	vst v0  }
0x3f: {  	[tilespmem:$0x81A0] =	vst v0  }
0x40: {  	[tilespmem:$0x82A0] =	vst v0  }
0x41: {  	[tilespmem:$0x80B0] =	vst v0  }
0x42: {  	[tilespmem:$0x81B0] =	vst v0  }
0x43: {  	[tilespmem:$0x82B0] =	vst v0  }
0x44: {  	[tilespmem:$0x80C0] =	vst v0  }
0x45: {  	[tilespmem:$0x81C0] =	vst v0  }
0x46: {  	[tilespmem:$0x82C0] =	vst v0  }
0x47: {  	[tilespmem:$0x80D0] =	vst v0  }
0x48: {  	[tilespmem:$0x81D0] =	vst v0  }
0x49: {  	[tilespmem:$0x82D0] =	vst v0  }
0x4a: {  	[tilespmem:$0x80E0] =	vst v0  }
0x4b: {  	[tilespmem:$0x81E0] =	vst v0  }
0x4c: {  	[tilespmem:$0x82E0] =	vst v0  }
0x4d: {  	[tilespmem:$0x80F0] =	vst v0  }
0x4e: {  	[tilespmem:$0x81F0] =	vst v0  }
0x4f: {  	[tilespmem:$0x82F0] =	vst v0;
	s0 =	rddreg [dreg:$0x4]  }
0x50: {  	[tilespmem:s4], [sflag:$0x1] =	stream.linear.gather [hbm4b:s0+s4], $0x2000, $0x38;
	[tilespmem:$0x8300] =	vst v63  }
0x51: {  	_ = 	snop  }
0x52: {  	[tilespmem:s19], [sflag:$0x3] =	stream.linear.gather [hbm4b:s6+s4], $0x2000, $0x38;
	[tilespmem:$0x8300] =	vst v63  }
0x53: {  	_ = 	snop  }
0x54: {  	[tilespmem:s20], [sflag:$0x2] =	stream.linear.gather [hbm4b:s7+s4], $0x2000, $0x38;
	[tilespmem:$0x8300] =	vst v63  }
0x55: {  	s0 =	simm.s32 $0x0  }
0x56: {  	[tilespmem:s21], [sflag:$0x4] =	stream.linear.gather [hbm4b:s8+s4], $0x2000, $0x38;
	[tilespmem:$0x8300] =	vst v63  }
.LBB2_2:
0x57: {  	_ =	swait.ge [sflag:s22], $0x2000  }
0x58: {  	[sflag:s22] =	ssyncset.done $0x0  }
0x59: {  	[sflag:s22] =	ssyncadd.s32 $0xFFFFE000  }
0x5a: {  	_ =	swait.ge [sflag:s23], $0x2000  }
0x5b: {  	[sflag:s23] =	ssyncset.done $0x0  }
0x5c: {  	s2 =	simm.s32 $0x20;
	[sflag:s23] =	ssyncadd.s32 $0xFFFFE000  }
0x5d: {  	v6 =	vld [tilespmem:s2+$0x10];
	_ =	sdelay $0x4  }
0x5e: {  	v4 =	vld [tilespmem:s2+$0xFFFFFFF0];
	v7 =	vmul.f32 $9.999999040e+00, v6  }
0x5f: {  	v5 =	vld [tilespmem:s2+$0xFFFFFFE0]  }
0x60: {  	v3 =	vld [tilespmem:s2+$0x0];
	v8 =	vtrunc.f32 v7  }
0x61: {  	v8 =	vcvt.f32.s32 v8  }
0x62: {  	v7 =	vadd.s32 $0xFFFFFFFF, v7  }
0x63: {  	v9 =	vmul.f32 $9.999999040e+00, v4;
	vm0 =	vlt.u32 v7, $0x411FFFFF;
	v8 =	vshll.u32 v8, $0x4  }
0x64: {  	s2 =	simm.s32 $0x4020;
	v7 =	vmul.f32 $9.999999040e+00, v5;
	v12 =	vor.u32 v1, v8  }
0x65: {  	v13 =	vld [tilespmem:s2+$0x10];
	v11 =	vtrunc.f32 v9;
	v8 =	vmul.f32 $9.999999040e+00, v3  }
0x66: {  	v10 =	vld [tilespmem:s2+$0xFFFFFFE0];
	v9 =	vadd.s32 $0xFFFFFFFF, v9;
	v11 =	vcvt.f32.s32 v11;
	v15 =	vtrunc.f32 v7  }
0x67: {  	vm2 =	vlt.u32 v9, $0x411FFFFF;
	v9 =	vld [tilespmem:s2+$0x0];
	v15 =	vcvt.f32.s32 v15;
	v14 =	vtrunc.f32 v8  }
0x68: {  	v16 =	vadd.s32 $0xFFFFFFFF, v7;
	v7 =	vld [tilespmem:s2+$0xFFFFFFF0];
	v14 =	vcvt.f32.s32 v14  }
0x69: {  	v63 =	vshll.u32 v11, $0x4;
	v62 =	vadd.s32 $0xFFFFFFFF, v8;
	v8 =	vshll.u32 v15, $0x4;
	[tilespmem:v12+s24+$0x0] =	vst.idx.add.f32.msk vm0, v2  }
0x6a: {  	vm1 =	vlt.u32 v16, $0x411FFFFF;
	v11 =	vor.u32 v1, v8;
	[tilespmem:v12+s25+$0x0] =	vst.idx.add.f32.msk vm0, v6;
	v6 =	vshll.u32 v14, $0x4  }
0x6b: {  	s14 =	simm.s32 $0x0;
	s15 =	simm.s32 $0x60;
	v8 =	vor.u32 v1, v63;
	[tilespmem:v12+s26+$0x0] =	vst.idx.add.f32.msk vm0, v13;
	vm0 =	vlt.u32 v62, $0x411FFFFF;
	v6 =	vor.u32 v1, v6  }
.LBB2_3:
0x6c: {  	v12 =	vld [tilespmem:s15+$0x10]  }
0x6d: {  	v13 =	vld [tilespmem:s15+$0xFFFFFFF0]  }
0x6e: {  	s14 =	sadd.s32 $0x4, s14;
	v14 =	vld [tilespmem:s15+$0x0]  }
0x6f: {  	p1 =	slt.u32 s14, $0x1FC;
	v15 =	vld [tilespmem:s15+$0xFFFFFFE0]  }
0x70: {  	[tilespmem:v11+s24+$0x0] =	vst.idx.add.f32.msk vm1, v2  }
0x71: {  	v16 =	vmul.f32 $9.999999040e+00, v12;
	[tilespmem:v11+s25+$0x0] =	vst.idx.add.f32.msk vm1, v5  }
0x72: {  	v17 =	vmul.f32 $9.999999040e+00, v13;
	[tilespmem:v11+s26+$0x0] =	vst.idx.add.f32.msk vm1, v10  }
0x73: {  	v10 =	vmul.f32 $9.999999040e+00, v14;
	v20 =	vtrunc.f32 v16;
	[tilespmem:v8+s24+$0x0] =	vst.idx.add.f32.msk vm2, v2  }
0x74: {  	v11 =	vmul.f32 $9.999999040e+00, v15;
	v18 =	vadd.s32 $0xFFFFFFFF, v17;
	v19 =	vcvt.f32.s32 v20;
	[tilespmem:v8+s25+$0x0] =	vst.idx.add.f32.msk vm2, v4;
	v4 =	vmovc v13;
	v5 =	vmovc v15  }
0x75: {  	v16 =	vadd.s32 $0xFFFFFFFF, v16;
	v13 =	vtrunc.f32 v17;
	v15 =	vtrunc.f32 v10;
	[tilespmem:v8+s26+$0x0] =	vst.idx.add.f32.msk vm2, v7  }
0x76: {  	vm3 =	vlt.u32 v16, $0x411FFFFF;
	v7 =	vtrunc.f32 v11;
	v8 =	vshll.u32 v19, $0x4;
	[tilespmem:v6+s24+$0x0] =	vst.idx.add.f32.msk vm0, v2  }
0x77: {  	v13 =	vcvt.f32.s32 v13;
	v7 =	vcvt.f32.s32 v7;
	v16 =	vor.u32 v1, v8;
	[tilespmem:v6+s25+$0x0] =	vst.idx.add.f32.msk vm0, v3;
	v3 =	vmovc v14  }
0x78: {  	s2 =	sadd.s32 $0x40, s2;
	v8 =	vadd.s32 $0xFFFFFFFF, v11;
	v14 =	vcvt.f32.s32 v15;
	v15 =	vadd.s32 $0xFFFFFFFF, v10;
	[tilespmem:v6+s26+$0x0] =	vst.idx.add.f32.msk vm0, v9  }
0x79: {  	vm1 =	vlt.u32 v8, $0x411FFFFF;
	v6 =	vshll.u32 v7, $0x4;
	v7 =	vshll.u32 v13, $0x4;
	v9 =	vld [tilespmem:s2+$0x10]  }
0x7a: {  	v10 =	vld [tilespmem:s2+$0xFFFFFFE0];
	v11 =	vor.u32 v1, v6;
	v8 =	vor.u32 v1, v7;
	v6 =	vshll.u32 v14, $0x4  }
.Ltmp2:
0x7b: {  	vm2 =	vlt.u32 v18, $0x411FFFFF;
	vm0 =	vlt.u32 v15, $0x411FFFFF;
	v7 =	vld [tilespmem:s2+$0xFFFFFFF0];
	v6 =	vor.u32 v1, v6;
	(pc) =	sbr.rel @p1 .LBB2_3-.Ltmp2, $4  }
0x7c: {  	[tilespmem:v16+s24+$0x0] =	vst.idx.add.f32.msk vm3, v2  }
0x7d: {  	[tilespmem:v16+s25+$0x0] =	vst.idx.add.f32.msk vm3, v12  }
0x7e: {  	[tilespmem:v16+s26+$0x0] =	vst.idx.add.f32.msk vm3, v9  }
0x7f: {  	s15 =	sadd.s32 $0x40, s15;
	v9 =	vld [tilespmem:s2+$0x0]  }
0x80: {  	_ =	sdelay $0x4  }
0x81: {  	[tilespmem:v11+s24+$0x0] =	vst.idx.add.f32.msk vm1, v2  }
0x82: {  	[tilespmem:v8+s24+$0x0] =	vst.idx.add.f32.msk vm2, v2  }
0x83: {  	[tilespmem:v6+s24+$0x0] =	vst.idx.add.f32.msk vm0, v2  }
0x84: {  	[tilespmem:v11+s25+$0x0] =	vst.idx.add.f32.msk vm1, v5  }
0x85: {  	[tilespmem:v8+s25+$0x0] =	vst.idx.add.f32.msk vm2, v4  }
0x86: {  	[tilespmem:v6+s25+$0x0] =	vst.idx.add.f32.msk vm0, v3  }
0x87: {  	s2 =	sshll.u32 s0, $0x10;
	[tilespmem:v11+s26+$0x0] =	vst.idx.add.f32.msk vm1, v10  }
0x88: {  	s5 =	sadd.s32 s9, s2;
	[tilespmem:v8+s26+$0x0] =	vst.idx.add.f32.msk vm2, v7  }
0x89: {  	s14 =	sadd.s32 s1, s5;
	[tilespmem:v6+s26+$0x0] =	vst.idx.add.f32.msk vm0, v9  }
0x8a: {  	[tilespmem:s4], [sflag:$0x1] =	stream.linear.gather [hbm4b:s14+s4], $0x2000, $0x38;
	[tilespmem:$0x8300] =	vst v63  }
0x8b: {  	s5 =	sadd.s32 s3, s5  }
0x8c: {  	[tilespmem:s19], [sflag:$0x3] =	stream.linear.gather [hbm4b:s5+s4], $0x2000, $0x38;
	[tilespmem:$0x8300] =	vst v63  }
0x8d: {  	_ =	swait.ge [sflag:s28], $0x2000  }
0x8e: {  	[sflag:s28] =	ssyncset.done $0x0  }
0x8f: {  	[sflag:s28] =	ssyncadd.s32 $0xFFFFE000  }
0x90: {  	_ =	swait.ge [sflag:s29], $0x2000  }
0x91: {  	[sflag:s29] =	ssyncset.done $0x0  }
0x92: {  	s15 =	simm.s32 $0x2020;
	[sflag:s29] =	ssyncadd.s32 $0xFFFFE000  }
0x93: {  	v6 =	vld [tilespmem:s15+$0x10];
	_ =	sdelay $0x4  }
0x94: {  	v4 =	vld [tilespmem:s15+$0xFFFFFFF0];
	v7 =	vmul.f32 $9.999999040e+00, v6  }
0x95: {  	v5 =	vld [tilespmem:s15+$0xFFFFFFE0]  }
0x96: {  	v3 =	vld [tilespmem:s15+$0x0];
	v8 =	vtrunc.f32 v7  }
0x97: {  	v8 =	vcvt.f32.s32 v8  }
0x98: {  	v7 =	vadd.s32 $0xFFFFFFFF, v7  }
0x99: {  	v9 =	vmul.f32 $9.999999040e+00, v4;
	vm0 =	vlt.u32 v7, $0x411FFFFF;
	v8 =	vshll.u32 v8, $0x4  }
0x9a: {  	s14 =	simm.s32 $0x6020;
	v7 =	vmul.f32 $9.999999040e+00, v5;
	v12 =	vor.u32 v1, v8  }
0x9b: {  	v13 =	vld [tilespmem:s14+$0x10];
	v11 =	vtrunc.f32 v9;
	v8 =	vmul.f32 $9.999999040e+00, v3  }
0x9c: {  	v10 =	vld [tilespmem:s14+$0xFFFFFFE0];
	v9 =	vadd.s32 $0xFFFFFFFF, v9;
	v11 =	vcvt.f32.s32 v11;
	v15 =	vtrunc.f32 v7  }
0x9d: {  	vm2 =	vlt.u32 v9, $0x411FFFFF;
	v9 =	vld [tilespmem:s14+$0x0];
	v15 =	vcvt.f32.s32 v15;
	v14 =	vtrunc.f32 v8  }
0x9e: {  	v16 =	vadd.s32 $0xFFFFFFFF, v7;
	v7 =	vld [tilespmem:s14+$0xFFFFFFF0];
	v14 =	vcvt.f32.s32 v14  }
0x9f: {  	v63 =	vshll.u32 v11, $0x4;
	v62 =	vadd.s32 $0xFFFFFFFF, v8;
	v8 =	vshll.u32 v15, $0x4;
	[tilespmem:v12+s24+$0x0] =	vst.idx.add.f32.msk vm0, v2  }
0xa0: {  	vm1 =	vlt.u32 v16, $0x411FFFFF;
	v11 =	vor.u32 v1, v8;
	[tilespmem:v12+s25+$0x0] =	vst.idx.add.f32.msk vm0, v6;
	v6 =	vshll.u32 v14, $0x4  }
0xa1: {  	s5 =	simm.s32 $0x2060;
	s15 =	simm.s32 $0x0;
	v8 =	vor.u32 v1, v63;
	[tilespmem:v12+s26+$0x0] =	vst.idx.add.f32.msk vm0, v13;
	vm0 =	vlt.u32 v62, $0x411FFFFF;
	v6 =	vor.u32 v1, v6  }
.LBB2_5:
0xa2: {  	v12 =	vld [tilespmem:s5+$0x10]  }
0xa3: {  	v13 =	vld [tilespmem:s5+$0xFFFFFFF0]  }
0xa4: {  	s15 =	sadd.s32 $0x4, s15;
	v14 =	vld [tilespmem:s5+$0x0]  }
0xa5: {  	p1 =	slt.u32 s15, $0x1FC;
	v15 =	vld [tilespmem:s5+$0xFFFFFFE0]  }
0xa6: {  	[tilespmem:v11+s24+$0x0] =	vst.idx.add.f32.msk vm1, v2  }
0xa7: {  	v16 =	vmul.f32 $9.999999040e+00, v12;
	[tilespmem:v11+s25+$0x0] =	vst.idx.add.f32.msk vm1, v5  }
0xa8: {  	v17 =	vmul.f32 $9.999999040e+00, v13;
	[tilespmem:v11+s26+$0x0] =	vst.idx.add.f32.msk vm1, v10  }
0xa9: {  	v10 =	vmul.f32 $9.999999040e+00, v14;
	v20 =	vtrunc.f32 v16;
	[tilespmem:v8+s24+$0x0] =	vst.idx.add.f32.msk vm2, v2  }
0xaa: {  	v11 =	vmul.f32 $9.999999040e+00, v15;
	v18 =	vadd.s32 $0xFFFFFFFF, v17;
	v19 =	vcvt.f32.s32 v20;
	[tilespmem:v8+s25+$0x0] =	vst.idx.add.f32.msk vm2, v4;
	v4 =	vmovc v13;
	v5 =	vmovc v15  }
0xab: {  	v16 =	vadd.s32 $0xFFFFFFFF, v16;
	v13 =	vtrunc.f32 v17;
	v15 =	vtrunc.f32 v10;
	[tilespmem:v8+s26+$0x0] =	vst.idx.add.f32.msk vm2, v7  }
0xac: {  	vm3 =	vlt.u32 v16, $0x411FFFFF;
	v7 =	vtrunc.f32 v11;
	v8 =	vshll.u32 v19, $0x4;
	[tilespmem:v6+s24+$0x0] =	vst.idx.add.f32.msk vm0, v2  }
0xad: {  	v13 =	vcvt.f32.s32 v13;
	v7 =	vcvt.f32.s32 v7;
	v16 =	vor.u32 v1, v8;
	[tilespmem:v6+s25+$0x0] =	vst.idx.add.f32.msk vm0, v3;
	v3 =	vmovc v14  }
0xae: {  	s14 =	sadd.s32 $0x40, s14;
	v8 =	vadd.s32 $0xFFFFFFFF, v11;
	v14 =	vcvt.f32.s32 v15;
	v15 =	vadd.s32 $0xFFFFFFFF, v10;
	[tilespmem:v6+s26+$0x0] =	vst.idx.add.f32.msk vm0, v9  }
0xaf: {  	vm1 =	vlt.u32 v8, $0x411FFFFF;
	v6 =	vshll.u32 v7, $0x4;
	v7 =	vshll.u32 v13, $0x4;
	v9 =	vld [tilespmem:s14+$0x10]  }
0xb0: {  	v10 =	vld [tilespmem:s14+$0xFFFFFFE0];
	v11 =	vor.u32 v1, v6;
	v8 =	vor.u32 v1, v7;
	v6 =	vshll.u32 v14, $0x4  }
.Ltmp3:
0xb1: {  	vm2 =	vlt.u32 v18, $0x411FFFFF;
	vm0 =	vlt.u32 v15, $0x411FFFFF;
	v7 =	vld [tilespmem:s14+$0xFFFFFFF0];
	v6 =	vor.u32 v1, v6;
	(pc) =	sbr.rel @p1 .LBB2_5-.Ltmp3, $4  }
0xb2: {  	[tilespmem:v16+s24+$0x0] =	vst.idx.add.f32.msk vm3, v2  }
0xb3: {  	[tilespmem:v16+s25+$0x0] =	vst.idx.add.f32.msk vm3, v12  }
0xb4: {  	[tilespmem:v16+s26+$0x0] =	vst.idx.add.f32.msk vm3, v9  }
0xb5: {  	s5 =	sadd.s32 $0x40, s5;
	v9 =	vld [tilespmem:s14+$0x0]  }
0xb6: {  	_ =	sdelay $0x4  }
0xb7: {  	[tilespmem:v11+s24+$0x0] =	vst.idx.add.f32.msk vm1, v2  }
0xb8: {  	[tilespmem:v8+s24+$0x0] =	vst.idx.add.f32.msk vm2, v2  }
0xb9: {  	[tilespmem:v6+s24+$0x0] =	vst.idx.add.f32.msk vm0, v2  }
0xba: {  	p1 =	seq.s32 s0, $0x2;
	[tilespmem:v11+s25+$0x0] =	vst.idx.add.f32.msk vm1, v5  }
.Ltmp4:
0xbb: {  	[tilespmem:v8+s25+$0x0] =	vst.idx.add.f32.msk vm2, v4;
	(pc) =	sbr.rel @p1 .LBB2_8-.Ltmp4, $4  }
0xbc: {  	[tilespmem:v6+s25+$0x0] =	vst.idx.add.f32.msk vm0, v3  }
0xbd: {  	[tilespmem:v11+s26+$0x0] =	vst.idx.add.f32.msk vm1, v10  }
0xbe: {  	[tilespmem:v8+s26+$0x0] =	vst.idx.add.f32.msk vm2, v7  }
0xbf: {  	[tilespmem:v6+s26+$0x0] =	vst.idx.add.f32.msk vm0, v9  }
.Ltmp5:
0xc0: {  	s2 =	sadd.s32 s10, s2;
	(pc) =	sbr.rel .LBB2_2-.Ltmp5, $4  }
0xc1: {  	s5 =	sadd.s32 s1, s2  }
0xc2: {  	[tilespmem:s20], [sflag:$0x2] =	stream.linear.gather [hbm4b:s5+s4], $0x2000, $0x38;
	[tilespmem:$0x8300] =	vst v63  }
0xc3: {  	s0 =	sadd.s32 $0x1, s0;
	s2 =	sadd.s32 s3, s2  }
0xc4: {  	[tilespmem:s21], [sflag:$0x4] =	stream.linear.gather [hbm4b:s2+s4], $0x2000, $0x38;
	[tilespmem:$0x8300] =	vst v63  }
.LBB2_8:
0xc5: {  	[tilespmem:s20], [sflag:$0x2] =	stream.linear.gather [hbm4b:s11+s4], $0x1420, $0x38;
	[tilespmem:$0x8300] =	vst v63  }
0xc6: {  	_ = 	snop  }
0xc7: {  	[tilespmem:s21], [sflag:$0x4] =	stream.linear.gather [hbm4b:s12+s4], $0x1420, $0x38;
	[tilespmem:$0x8300] =	vst v63  }
0xc8: {  	_ =	swait.ge [sflag:s22], $0x2000  }
0xc9: {  	[sflag:s22] =	ssyncset.done $0x0  }
0xca: {  	[sflag:s22] =	ssyncadd.s32 $0xFFFFE000  }
0xcb: {  	_ =	swait.ge [sflag:s23], $0x2000  }
0xcc: {  	[sflag:s23] =	ssyncset.done $0x0  }
0xcd: {  	s0 =	simm.s32 $0x20;
	[sflag:s23] =	ssyncadd.s32 $0xFFFFE000  }
0xce: {  	v7 =	vld [tilespmem:s0+$0x10];
	_ =	sdelay $0x4  }
0xcf: {  	v4 =	vld [tilespmem:s0+$0xFFFFFFF0];
	v6 =	vmul.f32 $9.999999040e+00, v7  }
0xd0: {  	v5 =	vld [tilespmem:s0+$0xFFFFFFE0]  }
0xd1: {  	v3 =	vld [tilespmem:s0+$0x0];
	v8 =	vtrunc.f32 v6  }
0xd2: {  	v8 =	vcvt.f32.s32 v8  }
0xd3: {  	v6 =	vadd.s32 $0xFFFFFFFF, v6  }
0xd4: {  	v9 =	vmul.f32 $9.999999040e+00, v4;
	vm0 =	vlt.u32 v6, $0x411FFFFF;
	v8 =	vshll.u32 v8, $0x4  }
0xd5: {  	s0 =	simm.s32 $0x4020;
	v6 =	vmul.f32 $9.999999040e+00, v5;
	v12 =	vor.u32 v1, v8  }
0xd6: {  	v13 =	vld [tilespmem:s0+$0x10];
	v11 =	vtrunc.f32 v9;
	v8 =	vmul.f32 $9.999999040e+00, v3  }
0xd7: {  	v10 =	vld [tilespmem:s0+$0xFFFFFFE0];
	v9 =	vadd.s32 $0xFFFFFFFF, v9;
	v11 =	vcvt.f32.s32 v11;
	v15 =	vtrunc.f32 v6  }
0xd8: {  	vm2 =	vlt.u32 v9, $0x411FFFFF;
	v9 =	vld [tilespmem:s0+$0x0];
	v15 =	vcvt.f32.s32 v15;
	v14 =	vtrunc.f32 v8  }
0xd9: {  	v16 =	vadd.s32 $0xFFFFFFFF, v6;
	v6 =	vld [tilespmem:s0+$0xFFFFFFF0];
	v14 =	vcvt.f32.s32 v14  }
0xda: {  	v63 =	vshll.u32 v11, $0x4;
	v62 =	vadd.s32 $0xFFFFFFFF, v8;
	v8 =	vshll.u32 v15, $0x4;
	[tilespmem:v12+s24+$0x0] =	vst.idx.add.f32.msk vm0, v2  }
0xdb: {  	vm1 =	vlt.u32 v16, $0x411FFFFF;
	v11 =	vor.u32 v1, v8;
	[tilespmem:v12+s25+$0x0] =	vst.idx.add.f32.msk vm0, v7;
	v7 =	vshll.u32 v14, $0x4  }
0xdc: {  	s2 =	simm.s32 $0x0;
	s5 =	simm.s32 $0x60;
	v8 =	vor.u32 v1, v63;
	[tilespmem:v12+s26+$0x0] =	vst.idx.add.f32.msk vm0, v13;
	vm0 =	vlt.u32 v62, $0x411FFFFF;
	v7 =	vor.u32 v1, v7  }
.LBB2_9:
0xdd: {  	v12 =	vld [tilespmem:s5+$0x10]  }
0xde: {  	v13 =	vld [tilespmem:s5+$0xFFFFFFF0]  }
0xdf: {  	s2 =	sadd.s32 $0x4, s2;
	v14 =	vld [tilespmem:s5+$0x0]  }
0xe0: {  	p1 =	slt.u32 s2, $0x1FC;
	v15 =	vld [tilespmem:s5+$0xFFFFFFE0]  }
0xe1: {  	[tilespmem:v11+s24+$0x0] =	vst.idx.add.f32.msk vm1, v2  }
0xe2: {  	v16 =	vmul.f32 $9.999999040e+00, v12;
	[tilespmem:v11+s25+$0x0] =	vst.idx.add.f32.msk vm1, v5  }
0xe3: {  	v17 =	vmul.f32 $9.999999040e+00, v13;
	[tilespmem:v11+s26+$0x0] =	vst.idx.add.f32.msk vm1, v10  }
0xe4: {  	v10 =	vmul.f32 $9.999999040e+00, v14;
	v20 =	vtrunc.f32 v16;
	[tilespmem:v8+s24+$0x0] =	vst.idx.add.f32.msk vm2, v2  }
0xe5: {  	v11 =	vmul.f32 $9.999999040e+00, v15;
	v18 =	vadd.s32 $0xFFFFFFFF, v17;
	v19 =	vcvt.f32.s32 v20;
	[tilespmem:v8+s25+$0x0] =	vst.idx.add.f32.msk vm2, v4;
	v4 =	vmovc v13;
	v5 =	vmovc v15  }
0xe6: {  	v16 =	vadd.s32 $0xFFFFFFFF, v16;
	v13 =	vtrunc.f32 v17;
	v15 =	vtrunc.f32 v10;
	[tilespmem:v8+s26+$0x0] =	vst.idx.add.f32.msk vm2, v6  }
0xe7: {  	vm3 =	vlt.u32 v16, $0x411FFFFF;
	v6 =	vtrunc.f32 v11;
	v8 =	vshll.u32 v19, $0x4;
	[tilespmem:v7+s24+$0x0] =	vst.idx.add.f32.msk vm0, v2  }
0xe8: {  	v13 =	vcvt.f32.s32 v13;
	v6 =	vcvt.f32.s32 v6;
	v16 =	vor.u32 v1, v8;
	[tilespmem:v7+s25+$0x0] =	vst.idx.add.f32.msk vm0, v3;
	v3 =	vmovc v14  }
0xe9: {  	s0 =	sadd.s32 $0x40, s0;
	v8 =	vadd.s32 $0xFFFFFFFF, v11;
	v14 =	vcvt.f32.s32 v15;
	v15 =	vadd.s32 $0xFFFFFFFF, v10;
	[tilespmem:v7+s26+$0x0] =	vst.idx.add.f32.msk vm0, v9  }
0xea: {  	vm1 =	vlt.u32 v8, $0x411FFFFF;
	v7 =	vshll.u32 v13, $0x4;
	v6 =	vshll.u32 v6, $0x4;
	v9 =	vld [tilespmem:s0+$0x10]  }
0xeb: {  	v8 =	vor.u32 v1, v7;
	v7 =	vshll.u32 v14, $0x4;
	v10 =	vld [tilespmem:s0+$0xFFFFFFE0];
	v11 =	vor.u32 v1, v6  }
.Ltmp6:
0xec: {  	vm2 =	vlt.u32 v18, $0x411FFFFF;
	vm0 =	vlt.u32 v15, $0x411FFFFF;
	v7 =	vor.u32 v1, v7;
	v6 =	vld [tilespmem:s0+$0xFFFFFFF0];
	(pc) =	sbr.rel @p1 .LBB2_9-.Ltmp6, $4  }
0xed: {  	[tilespmem:v16+s24+$0x0] =	vst.idx.add.f32.msk vm3, v2  }
0xee: {  	[tilespmem:v16+s25+$0x0] =	vst.idx.add.f32.msk vm3, v12  }
0xef: {  	[tilespmem:v16+s26+$0x0] =	vst.idx.add.f32.msk vm3, v9  }
0xf0: {  	s5 =	sadd.s32 $0x40, s5;
	v9 =	vld [tilespmem:s0+$0x0]  }
0xf1: {  	_ =	sdelay $0x4  }
0xf2: {  	[tilespmem:v11+s24+$0x0] =	vst.idx.add.f32.msk vm1, v2  }
0xf3: {  	[tilespmem:v8+s24+$0x0] =	vst.idx.add.f32.msk vm2, v2  }
0xf4: {  	[tilespmem:v7+s24+$0x0] =	vst.idx.add.f32.msk vm0, v2  }
0xf5: {  	[tilespmem:v11+s25+$0x0] =	vst.idx.add.f32.msk vm1, v5  }
0xf6: {  	[tilespmem:v8+s25+$0x0] =	vst.idx.add.f32.msk vm2, v4  }
0xf7: {  	[tilespmem:v7+s25+$0x0] =	vst.idx.add.f32.msk vm0, v3  }
0xf8: {  	[tilespmem:v11+s26+$0x0] =	vst.idx.add.f32.msk vm1, v10  }
0xf9: {  	[tilespmem:v8+s26+$0x0] =	vst.idx.add.f32.msk vm2, v6  }
0xfa: {  	[tilespmem:v7+s26+$0x0] =	vst.idx.add.f32.msk vm0, v9  }
0xfb: {  	_ =	swait.ge [sflag:s28], $0x1420  }
0xfc: {  	[sflag:s28] =	ssyncset.done $0x0  }
0xfd: {  	[sflag:s28] =	ssyncadd.s32 $0xFFFFEBE0  }
0xfe: {  	_ =	swait.ge [sflag:s29], $0x1420  }
0xff: {  	[sflag:s29] =	ssyncset.done $0x0  }
0x100: {  	s0 =	simm.s32 $0x2020;
	[sflag:s29] =	ssyncadd.s32 $0xFFFFEBE0  }
0x101: {  	v7 =	vld [tilespmem:s0+$0x10];
	_ =	sdelay $0x4  }
0x102: {  	v4 =	vld [tilespmem:s0+$0xFFFFFFF0];
	v6 =	vmul.f32 $9.999999040e+00, v7  }
0x103: {  	v5 =	vld [tilespmem:s0+$0xFFFFFFE0]  }
0x104: {  	v3 =	vld [tilespmem:s0+$0x0];
	v8 =	vtrunc.f32 v6  }
0x105: {  	v8 =	vcvt.f32.s32 v8  }
0x106: {  	v6 =	vadd.s32 $0xFFFFFFFF, v6  }
0x107: {  	v10 =	vmul.f32 $9.999999040e+00, v4;
	vm0 =	vlt.u32 v6, $0x411FFFFF;
	v8 =	vshll.u32 v8, $0x4  }
0x108: {  	s0 =	simm.s32 $0x6020;
	v6 =	vmul.f32 $9.999999040e+00, v5;
	v12 =	vor.u32 v1, v8  }
0x109: {  	v13 =	vld [tilespmem:s0+$0x10];
	v11 =	vtrunc.f32 v10;
	v8 =	vmul.f32 $9.999999040e+00, v3  }
0x10a: {  	v9 =	vld [tilespmem:s0+$0xFFFFFFE0];
	v10 =	vadd.s32 $0xFFFFFFFF, v10;
	v11 =	vcvt.f32.s32 v11;
	v15 =	vtrunc.f32 v6  }
0x10b: {  	vm2 =	vlt.u32 v10, $0x411FFFFF;
	v10 =	vld [tilespmem:s0+$0x0];
	v15 =	vcvt.f32.s32 v15;
	v14 =	vtrunc.f32 v8  }
0x10c: {  	v16 =	vadd.s32 $0xFFFFFFFF, v6;
	v6 =	vld [tilespmem:s0+$0xFFFFFFF0];
	v14 =	vcvt.f32.s32 v14  }
0x10d: {  	v63 =	vshll.u32 v11, $0x4;
	v62 =	vadd.s32 $0xFFFFFFFF, v8;
	v8 =	vshll.u32 v15, $0x4;
	[tilespmem:v12+s24+$0x0] =	vst.idx.add.f32.msk vm0, v2  }
0x10e: {  	vm1 =	vlt.u32 v16, $0x411FFFFF;
	v11 =	vor.u32 v1, v8;
	[tilespmem:v12+s25+$0x0] =	vst.idx.add.f32.msk vm0, v7;
	v7 =	vshll.u32 v14, $0x4  }
0x10f: {  	s2 =	simm.s32 $0x0;
	s14 =	simm.s32 $0x2060;
	v8 =	vor.u32 v1, v63;
	[tilespmem:v12+s26+$0x0] =	vst.idx.add.f32.msk vm0, v13;
	vm0 =	vlt.u32 v62, $0x411FFFFF;
	v7 =	vor.u32 v1, v7  }
.LBB2_11:
0x110: {  	v12 =	vld [tilespmem:s14+$0x10]  }
0x111: {  	v13 =	vld [tilespmem:s14+$0xFFFFFFF0]  }
0x112: {  	s2 =	sadd.s32 $0x4, s2;
	v14 =	vld [tilespmem:s14+$0x0]  }
0x113: {  	p1 =	slt.u32 s2, $0x13C;
	v15 =	vld [tilespmem:s14+$0xFFFFFFE0]  }
0x114: {  	[tilespmem:v11+s24+$0x0] =	vst.idx.add.f32.msk vm1, v2  }
0x115: {  	v16 =	vmul.f32 $9.999999040e+00, v12;
	[tilespmem:v11+s25+$0x0] =	vst.idx.add.f32.msk vm1, v5  }
0x116: {  	v17 =	vmul.f32 $9.999999040e+00, v13;
	[tilespmem:v11+s26+$0x0] =	vst.idx.add.f32.msk vm1, v9  }
0x117: {  	v9 =	vmul.f32 $9.999999040e+00, v14;
	v20 =	vtrunc.f32 v16;
	[tilespmem:v8+s24+$0x0] =	vst.idx.add.f32.msk vm2, v2  }
0x118: {  	v11 =	vmul.f32 $9.999999040e+00, v15;
	v18 =	vadd.s32 $0xFFFFFFFF, v17;
	v19 =	vcvt.f32.s32 v20;
	[tilespmem:v8+s25+$0x0] =	vst.idx.add.f32.msk vm2, v4;
	v4 =	vmovc v13;
	v5 =	vmovc v15  }
0x119: {  	v16 =	vadd.s32 $0xFFFFFFFF, v16;
	v13 =	vtrunc.f32 v17;
	v15 =	vtrunc.f32 v9;
	[tilespmem:v8+s26+$0x0] =	vst.idx.add.f32.msk vm2, v6  }
0x11a: {  	vm3 =	vlt.u32 v16, $0x411FFFFF;
	v6 =	vtrunc.f32 v11;
	v8 =	vshll.u32 v19, $0x4;
	[tilespmem:v7+s24+$0x0] =	vst.idx.add.f32.msk vm0, v2  }
0x11b: {  	v13 =	vcvt.f32.s32 v13;
	v6 =	vcvt.f32.s32 v6;
	v16 =	vor.u32 v1, v8;
	[tilespmem:v7+s25+$0x0] =	vst.idx.add.f32.msk vm0, v3;
	v3 =	vmovc v14  }
0x11c: {  	s0 =	sadd.s32 $0x40, s0;
	v8 =	vadd.s32 $0xFFFFFFFF, v11;
	v14 =	vcvt.f32.s32 v15;
	v15 =	vadd.s32 $0xFFFFFFFF, v9;
	[tilespmem:v7+s26+$0x0] =	vst.idx.add.f32.msk vm0, v10  }
0x11d: {  	vm1 =	vlt.u32 v8, $0x411FFFFF;
	v7 =	vshll.u32 v13, $0x4;
	v6 =	vshll.u32 v6, $0x4;
	v10 =	vld [tilespmem:s0+$0x10]  }
0x11e: {  	v8 =	vor.u32 v1, v7;
	v7 =	vshll.u32 v14, $0x4;
	v9 =	vld [tilespmem:s0+$0xFFFFFFE0];
	v11 =	vor.u32 v1, v6  }
.Ltmp7:
0x11f: {  	vm2 =	vlt.u32 v18, $0x411FFFFF;
	vm0 =	vlt.u32 v15, $0x411FFFFF;
	v7 =	vor.u32 v1, v7;
	v6 =	vld [tilespmem:s0+$0xFFFFFFF0];
	(pc) =	sbr.rel @p1 .LBB2_11-.Ltmp7, $4  }
0x120: {  	[tilespmem:v16+s24+$0x0] =	vst.idx.add.f32.msk vm3, v2  }
0x121: {  	[tilespmem:v16+s25+$0x0] =	vst.idx.add.f32.msk vm3, v12  }
0x122: {  	s5 =	simm.s32 $0x0;
	[tilespmem:v16+s26+$0x0] =	vst.idx.add.f32.msk vm3, v10  }
0x123: {  	s14 =	sadd.s32 $0x40, s14;
	v10 =	vld [tilespmem:s0+$0x0]  }
0x124: {  	_ =	sdelay $0x4  }
0x125: {  	[tilespmem:v11+s24+$0x0] =	vst.idx.add.f32.msk vm1, v2  }
0x126: {  	[tilespmem:v8+s24+$0x0] =	vst.idx.add.f32.msk vm2, v2  }
0x127: {  	[tilespmem:v7+s24+$0x0] =	vst.idx.add.f32.msk vm0, v2  }
0x128: {  	[tilespmem:v11+s25+$0x0] =	vst.idx.add.f32.msk vm1, v5  }
0x129: {  	[tilespmem:v8+s25+$0x0] =	vst.idx.add.f32.msk vm2, v4  }
0x12a: {  	[tilespmem:v7+s25+$0x0] =	vst.idx.add.f32.msk vm0, v3  }
0x12b: {  	[tilespmem:v11+s26+$0x0] =	vst.idx.add.f32.msk vm1, v9  }
0x12c: {  	[tilespmem:v8+s26+$0x0] =	vst.idx.add.f32.msk vm2, v6  }
0x12d: {  	[tilespmem:v7+s26+$0x0] =	vst.idx.add.f32.msk vm0, v10  }
.LBB2_13:
0x12e: {  	s0 =	sshra.s32 s5, $0x2  }
0x12f: {  	v3 =	vld [tilespmem:s0+$0x3400];
	_ =	sdelay $0x4  }
0x130: {  	v4 =	vmul.f32 $9.999999040e+00, v3;
	_ =	sdelay $0x1  }
0x131: {  	v5 =	vtrunc.f32 v4  }
0x132: {  	v5 =	vcvt.f32.s32 v5  }
0x133: {  	v4 =	vadd.s32 $0xFFFFFFFF, v4  }
0x134: {  	vm0 =	vlt.u32 v4, $0x411FFFFF;
	v5 =	vshll.u32 v5, $0x4  }
0x135: {  	v62 =	vor.u32 v1, v5;
	_ =	sdelay $0x1  }
0x136: {  	p1 =	sne.s32 s5, $0x40;
	v63 =	vld [tilespmem:s0+$0x7400]  }
.Ltmp8:
0x137: {  	_ = 	snop;
	(pc) =	sbr.rel @p1 .LBB2_13-.Ltmp8, $4  }
0x138: {  	_ = 	snop  }
0x139: {  	[tilespmem:v62+s24+$0x0] =	vst.idx.add.f32.msk vm0, v2  }
0x13a: {  	[tilespmem:v62+s25+$0x0] =	vst.idx.add.f32.msk vm0, v3  }
0x13b: {  	s5 =	sadd.s32 $0x40, s5;
	[tilespmem:v62+s26+$0x0] =	vst.idx.add.f32.msk vm0, v63  }
.Ltmp9:
0x13c: {  	(pc) =	sbr.rel @p0 .LBB2_17-.Ltmp9, $1  }
0x13d: {  	_ =	sdelay $0x3  }
0x13e: {  	s0 =	simm.s32 $0x0;
	s2 =	rddreg [dreg:$0x5]  }
0x13f: {  	[tilespmem:s0], [sflag:$0x5] =	stream.linear.gather [hbm4b:s2+s0], $0x80, $0x38;
	[tilespmem:$0x8300] =	vst v63  }
0x140: {  	_ =	swait.ge [sflag:s30], $0x80  }
0x141: {  	[sflag:s30] =	ssyncset.done $0x0  }
0x142: {  	s15 =	rddreg [dreg:$0x6];
	[sflag:s30] =	ssyncadd.s32 $0xFFFFFF80  }
0x143: {  	[tilespmem:s19], [sflag:$0x5] =	stream.linear.gather [hbm4b:s15+s0], $0x80, $0x38;
	[tilespmem:$0x8300] =	vst v63  }
0x144: {  	_ =	swait.ge [sflag:s30], $0x80  }
0x145: {  	[sflag:s30] =	ssyncset.done $0x0  }
0x146: {  	p1 =	por $0x1, $0x1;
	[sflag:s30] =	ssyncadd.s32 $0xFFFFFF80  }
.LBB2_16:
0x147: {  	v3 =	vld [tilespmem:s0+$0x0];
	_ =	sdelay $0x3  }
0x148: {  	s2 =	sor.u32 $0x10, s0  }
0x149: {  	v4 =	vld [tilespmem:s2+$0x0];
	v5 =	vmul.f32 $9.999999040e+00, v3;
	_ =	sdelay $0x1  }
0x14a: {  	v6 =	vtrunc.f32 v5  }
0x14b: {  	s14 =	sor.u32 $0x20, s0;
	v6 =	vcvt.f32.s32 v6  }
0x14c: {  	v7 =	vld [tilespmem:s14+$0x0];
	v5 =	vadd.s32 $0xFFFFFFFF, v5  }
0x14d: {  	v8 =	vmul.f32 $9.999999040e+00, v4;
	vm0 =	vlt.u32 v5, $0x411FFFFF;
	v6 =	vshll.u32 v6, $0x4  }
0x14e: {  	s15 =	sor.u32 $0x30, s0;
	v55 =	vor.u32 v1, v6  }
0x14f: {  	v9 =	vld [tilespmem:s15+$0x0];
	v56 =	vtrunc.f32 v8  }
0x150: {  	v6 =	vcvt.f32.s32 v56  }
0x151: {  	v10 =	vmul.f32 $9.999999040e+00, v7;
	v8 =	vadd.s32 $0xFFFFFFFF, v8  }
0x152: {  	v11 =	vld [tilespmem:s0+$0x4000];
	vm1 =	vlt.u32 v8, $0x411FFFFF;
	v6 =	vshll.u32 v6, $0x4  }
0x153: {  	v57 =	vtrunc.f32 v10;
	v6 =	vor.u32 v1, v6;
	[tilespmem:v55+s24+$0x0] =	vst.idx.add.f32.msk vm0, v2  }
0x154: {  	v58 =	vmul.f32 $9.999999040e+00, v9;
	v8 =	vcvt.f32.s32 v57;
	[tilespmem:v55+s25+$0x0] =	vst.idx.add.f32.msk vm0, v3;
	v3 =	vadd.s32 $0xFFFFFFFF, v10  }
0x155: {  	vm2 =	vlt.u32 v3, $0x411FFFFF;
	v3 =	vld [tilespmem:s0+$0x4010]  }
0x156: {  	v62 =	vld [tilespmem:s0+$0x4020];
	v60 =	vtrunc.f32 v58;
	v8 =	vshll.u32 v8, $0x4  }
0x157: {  	v63 =	vld [tilespmem:s0+$0x4030];
	v59 =	vor.u32 v1, v8;
	v8 =	vcvt.f32.s32 v60  }
0x158: {  	v61 =	vadd.s32 $0xFFFFFFFF, v58;
	[tilespmem:v6+s24+$0x0] =	vst.idx.add.f32.msk vm1, v2  }
0x159: {  	vm15 =	vlt.u32 v61, $0x411FFFFF;
	v8 =	vshll.u32 v8, $0x4;
	[tilespmem:v6+s25+$0x0] =	vst.idx.add.f32.msk vm1, v4  }
0x15a: {  	[tilespmem:v6+s26+$0x0] =	vst.idx.add.f32.msk vm1, v3;
	v3 =	vor.u32 v1, v8  }
0x15b: {  	[tilespmem:v55+s26+$0x0] =	vst.idx.add.f32.msk vm0, v11  }
0x15c: {  	p2 =	por p1, p1;
	[tilespmem:v59+s24+$0x0] =	vst.idx.add.f32.msk vm2, v2  }
.Ltmp10:
0x15d: {  	[tilespmem:v59+s25+$0x0] =	vst.idx.add.f32.msk vm2, v7;
	(pc) =	sbr.rel @p2 .LBB2_16-.Ltmp10, $4  }
0x15e: {  	[tilespmem:v59+s26+$0x0] =	vst.idx.add.f32.msk vm2, v62  }
0x15f: {  	[tilespmem:v3+s24+$0x0] =	vst.idx.add.f32.msk vm15, v2  }
0x160: {  	[tilespmem:v3+s25+$0x0] =	vst.idx.add.f32.msk vm15, v9  }
0x161: {  	p1 =	por $0x0, $0x0;
	s0 =	simm.s32 $0x40;
	[tilespmem:v3+s26+$0x0] =	vst.idx.add.f32.msk vm15, v63  }
.Ltmp11:
0x162: {  	_ = 	snop;
	(pc) =	sbr.rel .LBB2_17-.Ltmp11, $1  }
0x163: {  	_ =	sdelay $0x3  }
.LBB2_18:
0x164: {  	_ =	sfence.sel $0x180000  }
0x165: {  	[bflag:$0x0] =	sbarrier.arrive $0xFFFF  }
0x166: {  	_ =	strace $0x90000047  }
0x167: {  	s0 =	stileid.u32;
	[bflag:$0x2] =	sbarrier.arrive $0xFFFF  }
0x168: {  	p0 =	sne.s32 s0, $0x0;
	s0 =	rddreg [dreg:$0x3]  }
0x169: {  	s0 =	sadd.s32 @!p0 $0x100000, s0  }
0x16a: {  	[sflag:s0] =	ssyncadd.tile.s32 @!p0 $0x1;
	_ =	shalt  }
.Lfunc_end2:
_tile_overlayer_lowered:
.L_overlay_start_2:
0x16b: {  	(tag) =	ssettag $0x2  }
0x16c: {  	s0 =	rddreg [dreg:$0x0];
	s2 =	stileid.u32  }
0x16d: {  	s1 =	rddreg [dreg:$0x1];
	p0 =	sne.s32 s2, $0x0  }
0x16e: {  	s3 =	rddreg [dreg:$0x2];
	[bflag:$0x3] =	sbarrier.arrive $0xFFFF;
	s2 =	simm.s32 @!p0 $0x1C05  }
0x16f: {  	[timem:s3], [sflag:s2] =	dma.local @!p0 [hbm:s0], s1  }
0x170: {  	s0 =	simm.s32 @!p0 $0x5  }
0x171: {  	_ =	swait.ge @!p0 [sflag:s0], s1  }
0x172: {  	s1 =	ssub.s32 @!p0 $0x0, s1;
	[sflag:s0] =	ssyncset.done @!p0 $0x0  }
0x173: {  	[sflag:s0] =	ssyncadd.s32 @!p0 s1  }
0x174: {  	[bflag:$0x3] =	sbarrier.arrive $0xFFFF  }
0x175: {  	_ =	shalt  }

</sc_bundles>
